<compile_context>
chip_gen: v7x
topology: tpu7x:2x2x1
jax: 0.10.2.dev20260603
libtpu: 0.0.44.dev20260713+nightly
codegen_flags: <defaults>
</compile_context>

<pallas_src>
import functools

import jax
import jax.numpy as jnp
from jax import lax
from jax.experimental import pallas as pl
from jax.experimental.pallas import tpu as pltpu
from jax.experimental.pallas import tpu_sc as plsc

_N = 10000
_D = 128
_E = 320000
_BN_EPS = 1e-5

_NC = 1
_NS = 16
_NW = _NC * _NS
_CHUNK = 128
_BLK = 8
_NBLK = 40
_CPT = _BLK * _NBLK
_E_PAD = _NW * _CPT * _CHUNK
_N_ACC = 10240
_RPT = _N_ACC // _NS
_ZR = 16


def _sc_aggr_body(x_hbm, src_hbm, dst_hbm, out_hbm,
                  src_v, dst_v, rows0, rows1, zeros_v, acc_sh,
                  semr0, semr1, semsi0, semsi1, semdi0, semdi1):
    c = lax.axis_index("c")
    s = lax.axis_index("s")
    wid = c * _NS + s

    def _zrow(i, carry):
        for l in range(_D // 16):
            zeros_v[i, pl.ds(l * 16, 16)] = jnp.zeros((16,), jnp.float32)
        return carry
    lax.fori_loop(0, _ZR, _zrow, 0)
    for k in range(_RPT // _ZR):
        pltpu.sync_copy(zeros_v, acc_sh.at[pl.ds(s * _RPT + k * _ZR, _ZR)])
    plsc.subcore_barrier()

    rows = (rows0, rows1)
    semr = (semr0, semr1)
    semsi = (semsi0, semsi1)
    semdi = (semdi0, semdi1)

    def _idx_start(b, ib):
        pltpu.async_copy(src_hbm.at[wid, pl.ds(b * _BLK, _BLK)],
                         src_v.at[ib], semsi[ib])
        pltpu.async_copy(dst_hbm.at[wid, pl.ds(b * _BLK, _BLK)],
                         dst_v.at[ib], semdi[ib])

    def _idx_wait(b, ib):
        pltpu.make_async_copy(src_hbm.at[wid, pl.ds(b * _BLK, _BLK)],
                              src_v.at[ib], semsi[ib]).wait()
        pltpu.make_async_copy(dst_hbm.at[wid, pl.ds(b * _BLK, _BLK)],
                              dst_v.at[ib], semdi[ib]).wait()

    def _inner(ib):
        pltpu.async_copy(x_hbm.at[src_v.at[ib, 0]], rows[0], semr[0])
        for k in range(_BLK):
            if k + 1 < _BLK:
                pltpu.async_copy(x_hbm.at[src_v.at[ib, k + 1]],
                                 rows[(k + 1) % 2], semr[(k + 1) % 2])
            pltpu.make_async_copy(x_hbm.at[src_v.at[ib, k]],
                                  rows[k % 2], semr[k % 2]).wait()
            pass

    _idx_start(0, 0)

    def _bpair(t, carry):
        b0 = 2 * t
        _idx_start(b0 + 1, 1)
        _idx_wait(b0, 0)
        _inner(0)

        @pl.when(b0 + 2 < _NBLK)
        def _():
            _idx_start(b0 + 2, 0)
        _idx_wait(b0 + 1, 1)
        _inner(1)
        return carry
    lax.fori_loop(0, _NBLK // 2, _bpair, 0)

    plsc.subcore_barrier()
    pltpu.sync_copy(acc_sh.at[pl.ds(s * _RPT, _RPT)],
                    out_hbm.at[c, pl.ds(s * _RPT, _RPT)])


@functools.cache
def _get_sc_aggr():
  return pl.kernel(
    _sc_aggr_body,
    out_type=jax.ShapeDtypeStruct((_NC, _N_ACC, _D), jnp.float32),
    mesh=plsc.VectorSubcoreMesh(core_axis_name="c", subcore_axis_name="s",
                                num_cores=_NC),
    scratch_types=[
        pltpu.VMEM((2, _BLK, _CHUNK), jnp.int32),
        pltpu.VMEM((2, _BLK, _CHUNK), jnp.int32),
        pltpu.VMEM((_CHUNK, _D), jnp.float32),
        pltpu.VMEM((_CHUNK, _D), jnp.float32),
        pltpu.VMEM((_ZR, _D), jnp.float32),
        pltpu.VMEM_SHARED((_N_ACC, _D), jnp.float32),
        pltpu.SemaphoreType.DMA,
        pltpu.SemaphoreType.DMA,
        pltpu.SemaphoreType.DMA,
        pltpu.SemaphoreType.DMA,
        pltpu.SemaphoreType.DMA,
        pltpu.SemaphoreType.DMA,
    ],
  )


def _mlp_body(scale_ref, x_ref, agg_ref, w1t_ref, b1_ref, g_ref, bt_ref,
              w2t_ref, b2_ref, o_ref):
    h = scale_ref[0, 0] * x_ref[...] + agg_ref[0, 0:_N, :]
    h = jnp.dot(h, w1t_ref[...], preferred_element_type=jnp.float32) + b1_ref[...]
    mean = jnp.mean(h, axis=0, keepdims=True)
    var = jnp.mean((h - mean) ** 2, axis=0, keepdims=True)
    h = (h - mean) / jnp.sqrt(var + _BN_EPS) * g_ref[...] + bt_ref[...]
    h = jnp.maximum(h, 0.0)
    o_ref[...] = jnp.dot(h, w2t_ref[...], preferred_element_type=jnp.float32) + b2_ref[...]


def _mlp_call(scale, x, agg, w1t, b1, g, bt, w2t, b2, interpret=False):
    return pl.pallas_call(
        _mlp_body,
        out_shape=jax.ShapeDtypeStruct((_N, _D), jnp.float32),
        interpret=interpret,
    )(scale, x, agg, w1t, b1, g, bt, w2t, b2)


@jax.jit
def kernel(x, edge_index, W1, b1, gamma, beta, W2, b2, eps):
    src = edge_index[0]
    dst = edge_index[1]
    pad = _E_PAD - 2 * _E
    all_src = jnp.concatenate([src, dst, jnp.zeros((pad,), jnp.int32)])
    all_dst = jnp.concatenate([dst, src, jnp.full((pad,), _N, jnp.int32)])
    src_r = all_src.reshape(_NW, _CPT, _CHUNK)
    dst_r = all_dst.reshape(_NW, _CPT, _CHUNK)
    partials = _get_sc_aggr()(x, src_r, dst_r)

    scale = (2.0 + eps).astype(jnp.float32).reshape(1, 1)
    return _mlp_call(scale, x, partials, W1.T, b1.reshape(1, _D),
                     gamma.reshape(1, _D), beta.reshape(1, _D), W2.T,
                     b2.reshape(1, _D))

# --- scband reference (transcript-rebuilt; emitter-appended) ---
"""Pipeline reference for scband-ginlayer-27934467293294 (READ-ONLY COPY).

The authoritative reference and input builder live on the scoring server;
editing this copy changes nothing except your own understanding.
"""

import jax
import jax.numpy as jnp
import numpy as np

N_NODES = 10000
D_FEAT = 128
N_EDGES = 320000
BN_EPS = 1e-5


def setup_inputs(seed: int = 0) -> dict:
    key = jax.random.key(seed)
    ks = jax.random.split(key, 8)
    x = jax.random.normal(ks[0], (N_NODES, D_FEAT), dtype=jnp.float32)
    edge_index = jax.random.randint(ks[1], (2, N_EDGES), 0, N_NODES, dtype=jnp.int32)
    # MLP params: Linear(D,D) -> BN(D) -> ReLU -> Linear(D,D)
    W1 = jax.random.normal(ks[2], (D_FEAT, D_FEAT), dtype=jnp.float32) * 0.05
    b1 = jnp.zeros((D_FEAT,), dtype=jnp.float32)
    gamma = jnp.ones((D_FEAT,), dtype=jnp.float32)
    beta = jnp.zeros((D_FEAT,), dtype=jnp.float32)
    W2 = jax.random.normal(ks[3], (D_FEAT, D_FEAT), dtype=jnp.float32) * 0.05
    b2 = jnp.zeros((D_FEAT,), dtype=jnp.float32)
    eps = jnp.asarray(0.0, dtype=jnp.float32)  # learnable GIN eps (train_eps=True)
    return {"x": x, "edge_index": edge_index, "W1": W1, "b1": b1,
            "gamma": gamma, "beta": beta, "W2": W2, "b2": b2, "eps": eps}


def reference(x, edge_index, W1, b1, gamma, beta, W2, b2, eps):
    N = x.shape[0]
    src = edge_index[0]
    dst = edge_index[1]
    loops = jnp.arange(N, dtype=edge_index.dtype)
    # _augment_edge_index: original edges + reversed edges + self-loops
    all_src = jnp.concatenate([src, dst, loops])
    all_dst = jnp.concatenate([dst, src, loops])
    # scatter-add aggregation: aggr[dst] += x[src]
    aggr = jnp.zeros_like(x).at[all_dst].add(x[all_src])
    h = (1.0 + eps) * x + aggr
    # MLP: Linear -> BatchNorm1d (training-mode batch stats) -> ReLU -> Linear
    h = h @ W1.T + b1
    mean = jnp.mean(h, axis=0)
    var = jnp.mean((h - mean) ** 2, axis=0)
    h = (h - mean) / jnp.sqrt(var + BN_EPS) * gamma + beta
    h = jax.nn.relu(h)
    out = h @ W2.T + b2
    return out

if __name__ == "__main__":
    import jax
    _d = setup_inputs()
    print(jax.jit(kernel)(*tuple(_d.values())))

</pallas_src>

<mosaic_0001>
#map = affine_map<(d0, d1) -> (0, 0)>
#map1 = affine_map<(d0, d1) -> (0, 0, 0)>
module attributes {stable_mosaic.version = 14 : i64} {
  func.func @_sc_aggr_body(%arg0: i32, %arg1: i32, %arg2: memref<10000x128xf32, #tpu.memory_space<hbm>>, %arg3: memref<16x320x128xi32, #tpu.memory_space<hbm>>, %arg4: memref<16x320x128xi32, #tpu.memory_space<hbm>>, %arg5: memref<1x10240x128xf32, #tpu.memory_space<hbm>>, %arg6: memref<2x8x128xi32, #tpu.memory_space<vmem>>, %arg7: memref<2x8x128xi32, #tpu.memory_space<vmem>>, %arg8: memref<128x128xf32, #tpu.memory_space<vmem>>, %arg9: memref<128x128xf32, #tpu.memory_space<vmem>>, %arg10: memref<16x128xf32, #tpu.memory_space<vmem>>, %arg11: memref<10240x128xf32, #tpu.memory_space<vmem_shared>>, %arg12: memref<!tpu.dma_semaphore, #tpu.memory_space<semaphore_mem>>, %arg13: memref<!tpu.dma_semaphore, #tpu.memory_space<semaphore_mem>>, %arg14: memref<!tpu.dma_semaphore, #tpu.memory_space<semaphore_mem>>, %arg15: memref<!tpu.dma_semaphore, #tpu.memory_space<semaphore_mem>>, %arg16: memref<!tpu.dma_semaphore, #tpu.memory_space<semaphore_mem>>, %arg17: memref<!tpu.dma_semaphore, #tpu.memory_space<semaphore_mem>>) attributes {dimension_semantics = [#tpu.dimension_semantics<core_parallel>, #tpu.dimension_semantics<subcore_parallel>], iteration_bounds = array<i64: 1, 16>, scalar_prefetch = 0 : i64, scratch_operands = 12 : i64, tpu.core_type = #tpu.core_type<sc_vector_subcore>, window_params = [{transform_indices = #map}, {transform_indices = #map1}, {transform_indices = #map1}, {transform_indices = #map1}]} {
    %mul3A = arith.constant 16 : i32
    %mul3A_0 = arith.muli %arg0, %mul3A : i32
    %add3A = arith.addi %mul3A_0, %arg1 : i32
    %scan3A = arith.constant 0 : i32
    %scan3A_1 = arith.constant 0 : i32
    %scan3A_2 = arith.constant 16 : i32
    %scan3A_3 = arith.addi %scan3A_1, %scan3A_2 : i32
    %scan3A_4 = arith.constant 1 : i32
    scf.for %scan3A_210 = %scan3A_1 to %scan3A_3 step %scan3A_4  : i32 {
      %broadcast_in_dim3A = arith.constant 0.000000e+00 : f32
      %broadcast_in_dim3A_211 = vector.broadcast %broadcast_in_dim3A : f32 to vector<16xf32>
      %swap3A = arith.index_cast %scan3A_210 : i32 to index
      %swap3A_212 = arith.constant 0 : index
      %swap3A_213 = tpu.vector_load %arg10[%swap3A, %swap3A_212] {strides = array<i32>} : memref<16x128xf32, #tpu.memory_space<vmem>>, vector<1x16xf32>,
      %swap3A_214 = vector.shape_cast %swap3A_213 : vector<1x16xf32> to vector<16xf32>
      %swap3A_215 = vector.shape_cast %broadcast_in_dim3A_211 : vector<16xf32> to vector<1x16xf32>
      tpu.vector_store %arg10[%swap3A, %swap3A_212], %swap3A_215 {strides = array<i32>} : memref<16x128xf32, #tpu.memory_space<vmem>>, vector<1x16xf32>,
      %broadcast_in_dim3A_216 = arith.constant 0.000000e+00 : f32
      %broadcast_in_dim3A_217 = vector.broadcast %broadcast_in_dim3A_216 : f32 to vector<16xf32>
      %swap3A_218 = arith.index_cast %scan3A_210 : i32 to index
      %swap3A_219 = arith.constant 16 : index
      %swap3A_220 = tpu.vector_load %arg10[%swap3A_218, %swap3A_219] {strides = array<i32>} : memref<16x128xf32, #tpu.memory_space<vmem>>, vector<1x16xf32>,
      %swap3A_221 = vector.shape_cast %swap3A_220 : vector<1x16xf32> to vector<16xf32>
      %swap3A_222 = vector.shape_cast %broadcast_in_dim3A_217 : vector<16xf32> to vector<1x16xf32>
      tpu.vector_store %arg10[%swap3A_218, %swap3A_219], %swap3A_222 {strides = array<i32>} : memref<16x128xf32, #tpu.memory_space<vmem>>, vector<1x16xf32>,
      %broadcast_in_dim3A_223 = arith.constant 0.000000e+00 : f32
      %broadcast_in_dim3A_224 = vector.broadcast %broadcast_in_dim3A_223 : f32 to vector<16xf32>
      %swap3A_225 = arith.index_cast %scan3A_210 : i32 to index
      %swap3A_226 = arith.constant 32 : index
      %swap3A_227 = tpu.vector_load %arg10[%swap3A_225, %swap3A_226] {strides = array<i32>} : memref<16x128xf32, #tpu.memory_space<vmem>>, vector<1x16xf32>,
      %swap3A_228 = vector.shape_cast %swap3A_227 : vector<1x16xf32> to vector<16xf32>
      %swap3A_229 = vector.shape_cast %broadcast_in_dim3A_224 : vector<16xf32> to vector<1x16xf32>
      tpu.vector_store %arg10[%swap3A_225, %swap3A_226], %swap3A_229 {strides = array<i32>} : memref<16x128xf32, #tpu.memory_space<vmem>>, vector<1x16xf32>,
      %broadcast_in_dim3A_230 = arith.constant 0.000000e+00 : f32
      %broadcast_in_dim3A_231 = vector.broadcast %broadcast_in_dim3A_230 : f32 to vector<16xf32>
      %swap3A_232 = arith.index_cast %scan3A_210 : i32 to index
      %swap3A_233 = arith.constant 48 : index
      %swap3A_234 = tpu.vector_load %arg10[%swap3A_232, %swap3A_233] {strides = array<i32>} : memref<16x128xf32, #tpu.memory_space<vmem>>, vector<1x16xf32>,
      %swap3A_235 = vector.shape_cast %swap3A_234 : vector<1x16xf32> to vector<16xf32>
      %swap3A_236 = vector.shape_cast %broadcast_in_dim3A_231 : vector<16xf32> to vector<1x16xf32>
      tpu.vector_store %arg10[%swap3A_232, %swap3A_233], %swap3A_236 {strides = array<i32>} : memref<16x128xf32, #tpu.memory_space<vmem>>, vector<1x16xf32>,
      %broadcast_in_dim3A_237 = arith.constant 0.000000e+00 : f32
      %broadcast_in_dim3A_238 = vector.broadcast %broadcast_in_dim3A_237 : f32 to vector<16xf32>
      %swap3A_239 = arith.index_cast %scan3A_210 : i32 to index
      %swap3A_240 = arith.constant 64 : index
      %swap3A_241 = tpu.vector_load %arg10[%swap3A_239, %swap3A_240] {strides = array<i32>} : memref<16x128xf32, #tpu.memory_space<vmem>>, vector<1x16xf32>,
      %swap3A_242 = vector.shape_cast %swap3A_241 : vector<1x16xf32> to vector<16xf32>
      %swap3A_243 = vector.shape_cast %broadcast_in_dim3A_238 : vector<16xf32> to vector<1x16xf32>
      tpu.vector_store %arg10[%swap3A_239, %swap3A_240], %swap3A_243 {strides = array<i32>} : memref<16x128xf32, #tpu.memory_space<vmem>>, vector<1x16xf32>,
      %broadcast_in_dim3A_244 = arith.constant 0.000000e+00 : f32
      %broadcast_in_dim3A_245 = vector.broadcast %broadcast_in_dim3A_244 : f32 to vector<16xf32>
      %swap3A_246 = arith.index_cast %scan3A_210 : i32 to index
      %swap3A_247 = arith.constant 80 : index
      %swap3A_248 = tpu.vector_load %arg10[%swap3A_246, %swap3A_247] {strides = array<i32>} : memref<16x128xf32, #tpu.memory_space<vmem>>, vector<1x16xf32>,
      %swap3A_249 = vector.shape_cast %swap3A_248 : vector<1x16xf32> to vector<16xf32>
      %swap3A_250 = vector.shape_cast %broadcast_in_dim3A_245 : vector<16xf32> to vector<1x16xf32>
      tpu.vector_store %arg10[%swap3A_246, %swap3A_247], %swap3A_250 {strides = array<i32>} : memref<16x128xf32, #tpu.memory_space<vmem>>, vector<1x16xf32>,
      %broadcast_in_dim3A_251 = arith.constant 0.000000e+00 : f32
      %broadcast_in_dim3A_252 = vector.broadcast %broadcast_in_dim3A_251 : f32 to vector<16xf32>
      %swap3A_253 = arith.index_cast %scan3A_210 : i32 to index
      %swap3A_254 = arith.constant 96 : index
      %swap3A_255 = tpu.vector_load %arg10[%swap3A_253, %swap3A_254] {strides = array<i32>} : memref<16x128xf32, #tpu.memory_space<vmem>>, vector<1x16xf32>,
      %swap3A_256 = vector.shape_cast %swap3A_255 : vector<1x16xf32> to vector<16xf32>
      %swap3A_257 = vector.shape_cast %broadcast_in_dim3A_252 : vector<16xf32> to vector<1x16xf32>
      tpu.vector_store %arg10[%swap3A_253, %swap3A_254], %swap3A_257 {strides = array<i32>} : memref<16x128xf32, #tpu.memory_space<vmem>>, vector<1x16xf32>,
      %broadcast_in_dim3A_258 = arith.constant 0.000000e+00 : f32
      %broadcast_in_dim3A_259 = vector.broadcast %broadcast_in_dim3A_258 : f32 to vector<16xf32>
      %swap3A_260 = arith.index_cast %scan3A_210 : i32 to index
      %swap3A_261 = arith.constant 112 : index
      %swap3A_262 = tpu.vector_load %arg10[%swap3A_260, %swap3A_261] {strides = array<i32>} : memref<16x128xf32, #tpu.memory_space<vmem>>, vector<1x16xf32>,
      %swap3A_263 = vector.shape_cast %swap3A_262 : vector<1x16xf32> to vector<16xf32>
      %swap3A_264 = vector.shape_cast %broadcast_in_dim3A_259 : vector<16xf32> to vector<1x16xf32>
      tpu.vector_store %arg10[%swap3A_260, %swap3A_261], %swap3A_264 {strides = array<i32>} : memref<16x128xf32, #tpu.memory_space<vmem>>, vector<1x16xf32>,
    }
    %scan3A_5 = arith.constant 16 : i32
    %mul3A_6 = arith.constant 640 : i32
    %mul3A_7 = arith.muli %arg1, %mul3A_6 : i32
    %add3A_8 = arith.constant 0 : i32
    %add3A_9 = arith.addi %mul3A_7, %add3A_8 : i32
    "tpu.region"() ({
      %run_scoped3A = tpu.sem_alloc : memref<!tpu.dma_semaphore, #tpu.memory_space<semaphore_mem>>
      %dma_start3A_210 = arith.constant 0 : i32
      %dma_start3A_211 = tpu.memref_slice %arg11[%add3A_9, %dma_start3A_210] : memref<10240x128xf32, #tpu.memory_space<vmem_shared>> -> memref<16x128xf32, #tpu.memory_space<vmem_shared>>
      %dma_start3A_212 = arith.constant 0 : i32
      %dma_start3A_213 = tpu.memref_slice %arg11[%add3A_9, %dma_start3A_212] : memref<10240x128xf32, #tpu.memory_space<vmem_shared>> -> memref<16x128xf32, #tpu.memory_space<vmem_shared>>
      tpu.enqueue_dma source(%arg10 : memref<16x128xf32, #tpu.memory_space<vmem>>) target(%dma_start3A_213 : memref<16x128xf32, #tpu.memory_space<vmem_shared>>) target_semaphore(%run_scoped3A : memref<!tpu.dma_semaphore, #tpu.memory_space<semaphore_mem>>)
      %dma_wait3A = arith.constant 0 : i32
      %dma_wait3A_214 = tpu.memref_slice %arg11[%add3A_9, %dma_wait3A] : memref<10240x128xf32, #tpu.memory_space<vmem_shared>> -> memref<16x128xf32, #tpu.memory_space<vmem_shared>>
      %dma_wait3A_215 = arith.constant 0 : i32
      %dma_wait3A_216 = tpu.memref_slice %arg11[%add3A_9, %dma_wait3A_215] : memref<10240x128xf32, #tpu.memory_space<vmem_shared>> -> memref<16x128xf32, #tpu.memory_space<vmem_shared>>
      tpu.wait_dma2 semaphore(%run_scoped3A : memref<!tpu.dma_semaphore, #tpu.memory_space<semaphore_mem>>) src(%arg10 : memref<16x128xf32, #tpu.memory_space<vmem>>) dst(%dma_wait3A_216 : memref<16x128xf32, #tpu.memory_space<vmem_shared>>)
      tpu.yield
    }) : () -> ()
    %mul3A_10 = arith.constant 640 : i32
    %mul3A_11 = arith.muli %arg1, %mul3A_10 : i32
    %add3A_12 = arith.constant 16 : i32
    %add3A_13 = arith.addi %mul3A_11, %add3A_12 : i32
    "tpu.region"() ({
      %run_scoped3A = tpu.sem_alloc : memref<!tpu.dma_semaphore, #tpu.memory_space<semaphore_mem>>
      %dma_start3A_210 = arith.constant 0 : i32
      %dma_start3A_211 = tpu.memref_slice %arg11[%add3A_13, %dma_start3A_210] : memref<10240x128xf32, #tpu.memory_space<vmem_shared>> -> memref<16x128xf32, #tpu.memory_space<vmem_shared>>
      %dma_start3A_212 = arith.constant 0 : i32
      %dma_start3A_213 = tpu.memref_slice %arg11[%add3A_13, %dma_start3A_212] : memref<10240x128xf32, #tpu.memory_space<vmem_shared>> -> memref<16x128xf32, #tpu.memory_space<vmem_shared>>
      tpu.enqueue_dma source(%arg10 : memref<16x128xf32, #tpu.memory_space<vmem>>) target(%dma_start3A_213 : memref<16x128xf32, #tpu.memory_space<vmem_shared>>) target_semaphore(%run_scoped3A : memref<!tpu.dma_semaphore, #tpu.memory_space<semaphore_mem>>)
      %dma_wait3A = arith.constant 0 : i32
      %dma_wait3A_214 = tpu.memref_slice %arg11[%add3A_13, %dma_wait3A] : memref<10240x128xf32, #tpu.memory_space<vmem_shared>> -> memref<16x128xf32, #tpu.memory_space<vmem_shared>>
      %dma_wait3A_215 = arith.constant 0 : i32
      %dma_wait3A_216 = tpu.memref_slice %arg11[%add3A_13, %dma_wait3A_215] : memref<10240x128xf32, #tpu.memory_space<vmem_shared>> -> memref<16x128xf32, #tpu.memory_space<vmem_shared>>
      tpu.wait_dma2 semaphore(%run_scoped3A : memref<!tpu.dma_semaphore, #tpu.memory_space<semaphore_mem>>) src(%arg10 : memref<16x128xf32, #tpu.memory_space<vmem>>) dst(%dma_wait3A_216 : memref<16x128xf32, #tpu.memory_space<vmem_shared>>)
      tpu.yield
    }) : () -> ()
    %mul3A_14 = arith.constant 640 : i32
    %mul3A_15 = arith.muli %arg1, %mul3A_14 : i32
    %add3A_16 = arith.constant 32 : i32
    %add3A_17 = arith.addi %mul3A_15, %add3A_16 : i32
    "tpu.region"() ({
      %run_scoped3A = tpu.sem_alloc : memref<!tpu.dma_semaphore, #tpu.memory_space<semaphore_mem>>
      %dma_start3A_210 = arith.constant 0 : i32
      %dma_start3A_211 = tpu.memref_slice %arg11[%add3A_17, %dma_start3A_210] : memref<10240x128xf32, #tpu.memory_space<vmem_shared>> -> memref<16x128xf32, #tpu.memory_space<vmem_shared>>
      %dma_start3A_212 = arith.constant 0 : i32
      %dma_start3A_213 = tpu.memref_slice %arg11[%add3A_17, %dma_start3A_212] : memref<10240x128xf32, #tpu.memory_space<vmem_shared>> -> memref<16x128xf32, #tpu.memory_space<vmem_shared>>
      tpu.enqueue_dma source(%arg10 : memref<16x128xf32, #tpu.memory_space<vmem>>) target(%dma_start3A_213 : memref<16x128xf32, #tpu.memory_space<vmem_shared>>) target_semaphore(%run_scoped3A : memref<!tpu.dma_semaphore, #tpu.memory_space<semaphore_mem>>)
      %dma_wait3A = arith.constant 0 : i32
      %dma_wait3A_214 = tpu.memref_slice %arg11[%add3A_17, %dma_wait3A] : memref<10240x128xf32, #tpu.memory_space<vmem_shared>> -> memref<16x128xf32, #tpu.memory_space<vmem_shared>>
      %dma_wait3A_215 = arith.constant 0 : i32
      %dma_wait3A_216 = tpu.memref_slice %arg11[%add3A_17, %dma_wait3A_215] : memref<10240x128xf32, #tpu.memory_space<vmem_shared>> -> memref<16x128xf32, #tpu.memory_space<vmem_shared>>
      tpu.wait_dma2 semaphore(%run_scoped3A : memref<!tpu.dma_semaphore, #tpu.memory_space<semaphore_mem>>) src(%arg10 : memref<16x128xf32, #tpu.memory_space<vmem>>) dst(%dma_wait3A_216 : memref<16x128xf32, #tpu.memory_space<vmem_shared>>)
      tpu.yield
    }) : () -> ()
    %mul3A_18 = arith.constant 640 : i32
    %mul3A_19 = arith.muli %arg1, %mul3A_18 : i32
    %add3A_20 = arith.constant 48 : i32
    %add3A_21 = arith.addi %mul3A_19, %add3A_20 : i32
    "tpu.region"() ({
      %run_scoped3A = tpu.sem_alloc : memref<!tpu.dma_semaphore, #tpu.memory_space<semaphore_mem>>
      %dma_start3A_210 = arith.constant 0 : i32
      %dma_start3A_211 = tpu.memref_slice %arg11[%add3A_21, %dma_start3A_210] : memref<10240x128xf32, #tpu.memory_space<vmem_shared>> -> memref<16x128xf32, #tpu.memory_space<vmem_shared>>
      %dma_start3A_212 = arith.constant 0 : i32
      %dma_start3A_213 = tpu.memref_slice %arg11[%add3A_21, %dma_start3A_212] : memref<10240x128xf32, #tpu.memory_space<vmem_shared>> -> memref<16x128xf32, #tpu.memory_space<vmem_shared>>
      tpu.enqueue_dma source(%arg10 : memref<16x128xf32, #tpu.memory_space<vmem>>) target(%dma_start3A_213 : memref<16x128xf32, #tpu.memory_space<vmem_shared>>) target_semaphore(%run_scoped3A : memref<!tpu.dma_semaphore, #tpu.memory_space<semaphore_mem>>)
      %dma_wait3A = arith.constant 0 : i32
      %dma_wait3A_214 = tpu.memref_slice %arg11[%add3A_21, %dma_wait3A] : memref<10240x128xf32, #tpu.memory_space<vmem_shared>> -> memref<16x128xf32, #tpu.memory_space<vmem_shared>>
      %dma_wait3A_215 = arith.constant 0 : i32
      %dma_wait3A_216 = tpu.memref_slice %arg11[%add3A_21, %dma_wait3A_215] : memref<10240x128xf32, #tpu.memory_space<vmem_shared>> -> memref<16x128xf32, #tpu.memory_space<vmem_shared>>
      tpu.wait_dma2 semaphore(%run_scoped3A : memref<!tpu.dma_semaphore, #tpu.memory_space<semaphore_mem>>) src(%arg10 : memref<16x128xf32, #tpu.memory_space<vmem>>) dst(%dma_wait3A_216 : memref<16x128xf32, #tpu.memory_space<vmem_shared>>)
      tpu.yield
    }) : () -> ()
    %mul3A_22 = arith.constant 640 : i32
    %mul3A_23 = arith.muli %arg1, %mul3A_22 : i32
    %add3A_24 = arith.constant 64 : i32
    %add3A_25 = arith.addi %mul3A_23, %add3A_24 : i32
    "tpu.region"() ({
      %run_scoped3A = tpu.sem_alloc : memref<!tpu.dma_semaphore, #tpu.memory_space<semaphore_mem>>
      %dma_start3A_210 = arith.constant 0 : i32
      %dma_start3A_211 = tpu.memref_slice %arg11[%add3A_25, %dma_start3A_210] : memref<10240x128xf32, #tpu.memory_space<vmem_shared>> -> memref<16x128xf32, #tpu.memory_space<vmem_shared>>
      %dma_start3A_212 = arith.constant 0 : i32
      %dma_start3A_213 = tpu.memref_slice %arg11[%add3A_25, %dma_start3A_212] : memref<10240x128xf32, #tpu.memory_space<vmem_shared>> -> memref<16x128xf32, #tpu.memory_space<vmem_shared>>
      tpu.enqueue_dma source(%arg10 : memref<16x128xf32, #tpu.memory_space<vmem>>) target(%dma_start3A_213 : memref<16x128xf32, #tpu.memory_space<vmem_shared>>) target_semaphore(%run_scoped3A : memref<!tpu.dma_semaphore, #tpu.memory_space<semaphore_mem>>)
      %dma_wait3A = arith.constant 0 : i32
      %dma_wait3A_214 = tpu.memref_slice %arg11[%add3A_25, %dma_wait3A] : memref<10240x128xf32, #tpu.memory_space<vmem_shared>> -> memref<16x128xf32, #tpu.memory_space<vmem_shared>>
      %dma_wait3A_215 = arith.constant 0 : i32
      %dma_wait3A_216 = tpu.memref_slice %arg11[%add3A_25, %dma_wait3A_215] : memref<10240x128xf32, #tpu.memory_space<vmem_shared>> -> memref<16x128xf32, #tpu.memory_space<vmem_shared>>
      tpu.wait_dma2 semaphore(%run_scoped3A : memref<!tpu.dma_semaphore, #tpu.memory_space<semaphore_mem>>) src(%arg10 : memref<16x128xf32, #tpu.memory_space<vmem>>) dst(%dma_wait3A_216 : memref<16x128xf32, #tpu.memory_space<vmem_shared>>)
      tpu.yield
    }) : () -> ()
    %mul3A_26 = arith.constant 640 : i32
    %mul3A_27 = arith.muli %arg1, %mul3A_26 : i32
    %add3A_28 = arith.constant 80 : i32
    %add3A_29 = arith.addi %mul3A_27, %add3A_28 : i32
    "tpu.region"() ({
      %run_scoped3A = tpu.sem_alloc : memref<!tpu.dma_semaphore, #tpu.memory_space<semaphore_mem>>
      %dma_start3A_210 = arith.constant 0 : i32
      %dma_start3A_211 = tpu.memref_slice %arg11[%add3A_29, %dma_start3A_210] : memref<10240x128xf32, #tpu.memory_space<vmem_shared>> -> memref<16x128xf32, #tpu.memory_space<vmem_shared>>
      %dma_start3A_212 = arith.constant 0 : i32
      %dma_start3A_213 = tpu.memref_slice %arg11[%add3A_29, %dma_start3A_212] : memref<10240x128xf32, #tpu.memory_space<vmem_shared>> -> memref<16x128xf32, #tpu.memory_space<vmem_shared>>
      tpu.enqueue_dma source(%arg10 : memref<16x128xf32, #tpu.memory_space<vmem>>) target(%dma_start3A_213 : memref<16x128xf32, #tpu.memory_space<vmem_shared>>) target_semaphore(%run_scoped3A : memref<!tpu.dma_semaphore, #tpu.memory_space<semaphore_mem>>)
      %dma_wait3A = arith.constant 0 : i32
      %dma_wait3A_214 = tpu.memref_slice %arg11[%add3A_29, %dma_wait3A] : memref<10240x128xf32, #tpu.memory_space<vmem_shared>> -> memref<16x128xf32, #tpu.memory_space<vmem_shared>>
      %dma_wait3A_215 = arith.constant 0 : i32
      %dma_wait3A_216 = tpu.memref_slice %arg11[%add3A_29, %dma_wait3A_215] : memref<10240x128xf32, #tpu.memory_space<vmem_shared>> -> memref<16x128xf32, #tpu.memory_space<vmem_shared>>
      tpu.wait_dma2 semaphore(%run_scoped3A : memref<!tpu.dma_semaphore, #tpu.memory_space<semaphore_mem>>) src(%arg10 : memref<16x128xf32, #tpu.memory_space<vmem>>) dst(%dma_wait3A_216 : memref<16x128xf32, #tpu.memory_space<vmem_shared>>)
      tpu.yield
    }) : () -> ()
    %mul3A_30 = arith.constant 640 : i32
    %mul3A_31 = arith.muli %arg1, %mul3A_30 : i32
    %add3A_32 = arith.constant 96 : i32
    %add3A_33 = arith.addi %mul3A_31, %add3A_32 : i32
    "tpu.region"() ({
      %run_scoped3A = tpu.sem_alloc : memref<!tpu.dma_semaphore, #tpu.memory_space<semaphore_mem>>
      %dma_start3A_210 = arith.constant 0 : i32
      %dma_start3A_211 = tpu.memref_slice %arg11[%add3A_33, %dma_start3A_210] : memref<10240x128xf32, #tpu.memory_space<vmem_shared>> -> memref<16x128xf32, #tpu.memory_space<vmem_shared>>
      %dma_start3A_212 = arith.constant 0 : i32
      %dma_start3A_213 = tpu.memref_slice %arg11[%add3A_33, %dma_start3A_212] : memref<10240x128xf32, #tpu.memory_space<vmem_shared>> -> memref<16x128xf32, #tpu.memory_space<vmem_shared>>
      tpu.enqueue_dma source(%arg10 : memref<16x128xf32, #tpu.memory_space<vmem>>) target(%dma_start3A_213 : memref<16x128xf32, #tpu.memory_space<vmem_shared>>) target_semaphore(%run_scoped3A : memref<!tpu.dma_semaphore, #tpu.memory_space<semaphore_mem>>)
      %dma_wait3A = arith.constant 0 : i32
      %dma_wait3A_214 = tpu.memref_slice %arg11[%add3A_33, %dma_wait3A] : memref<10240x128xf32, #tpu.memory_space<vmem_shared>> -> memref<16x128xf32, #tpu.memory_space<vmem_shared>>
      %dma_wait3A_215 = arith.constant 0 : i32
      %dma_wait3A_216 = tpu.memref_slice %arg11[%add3A_33, %dma_wait3A_215] : memref<10240x128xf32, #tpu.memory_space<vmem_shared>> -> memref<16x128xf32, #tpu.memory_space<vmem_shared>>
      tpu.wait_dma2 semaphore(%run_scoped3A : memref<!tpu.dma_semaphore, #tpu.memory_space<semaphore_mem>>) src(%arg10 : memref<16x128xf32, #tpu.memory_space<vmem>>) dst(%dma_wait3A_216 : memref<16x128xf32, #tpu.memory_space<vmem_shared>>)
      tpu.yield
    }) : () -> ()
    %mul3A_34 = arith.constant 640 : i32
    %mul3A_35 = arith.muli %arg1, %mul3A_34 : i32
    %add3A_36 = arith.constant 112 : i32
    %add3A_37 = arith.addi %mul3A_35, %add3A_36 : i32
    "tpu.region"() ({
      %run_scoped3A = tpu.sem_alloc : memref<!tpu.dma_semaphore, #tpu.memory_space<semaphore_mem>>
      %dma_start3A_210 = arith.constant 0 : i32
      %dma_start3A_211 = tpu.memref_slice %arg11[%add3A_37, %dma_start3A_210] : memref<10240x128xf32, #tpu.memory_space<vmem_shared>> -> memref<16x128xf32, #tpu.memory_space<vmem_shared>>
      %dma_start3A_212 = arith.constant 0 : i32
      %dma_start3A_213 = tpu.memref_slice %arg11[%add3A_37, %dma_start3A_212] : memref<10240x128xf32, #tpu.memory_space<vmem_shared>> -> memref<16x128xf32, #tpu.memory_space<vmem_shared>>
      tpu.enqueue_dma source(%arg10 : memref<16x128xf32, #tpu.memory_space<vmem>>) target(%dma_start3A_213 : memref<16x128xf32, #tpu.memory_space<vmem_shared>>) target_semaphore(%run_scoped3A : memref<!tpu.dma_semaphore, #tpu.memory_space<semaphore_mem>>)
      %dma_wait3A = arith.constant 0 : i32
      %dma_wait3A_214 = tpu.memref_slice %arg11[%add3A_37, %dma_wait3A] : memref<10240x128xf32, #tpu.memory_space<vmem_shared>> -> memref<16x128xf32, #tpu.memory_space<vmem_shared>>
      %dma_wait3A_215 = arith.constant 0 : i32
      %dma_wait3A_216 = tpu.memref_slice %arg11[%add3A_37, %dma_wait3A_215] : memref<10240x128xf32, #tpu.memory_space<vmem_shared>> -> memref<16x128xf32, #tpu.memory_space<vmem_shared>>
      tpu.wait_dma2 semaphore(%run_scoped3A : memref<!tpu.dma_semaphore, #tpu.memory_space<semaphore_mem>>) src(%arg10 : memref<16x128xf32, #tpu.memory_space<vmem>>) dst(%dma_wait3A_216 : memref<16x128xf32, #tpu.memory_space<vmem_shared>>)
      tpu.yield
    }) : () -> ()
    %mul3A_38 = arith.constant 640 : i32
    %mul3A_39 = arith.muli %arg1, %mul3A_38 : i32
    %add3A_40 = arith.constant 128 : i32
    %add3A_41 = arith.addi %mul3A_39, %add3A_40 : i32
    "tpu.region"() ({
      %run_scoped3A = tpu.sem_alloc : memref<!tpu.dma_semaphore, #tpu.memory_space<semaphore_mem>>
      %dma_start3A_210 = arith.constant 0 : i32
      %dma_start3A_211 = tpu.memref_slice %arg11[%add3A_41, %dma_start3A_210] : memref<10240x128xf32, #tpu.memory_space<vmem_shared>> -> memref<16x128xf32, #tpu.memory_space<vmem_shared>>
      %dma_start3A_212 = arith.constant 0 : i32
      %dma_start3A_213 = tpu.memref_slice %arg11[%add3A_41, %dma_start3A_212] : memref<10240x128xf32, #tpu.memory_space<vmem_shared>> -> memref<16x128xf32, #tpu.memory_space<vmem_shared>>
      tpu.enqueue_dma source(%arg10 : memref<16x128xf32, #tpu.memory_space<vmem>>) target(%dma_start3A_213 : memref<16x128xf32, #tpu.memory_space<vmem_shared>>) target_semaphore(%run_scoped3A : memref<!tpu.dma_semaphore, #tpu.memory_space<semaphore_mem>>)
      %dma_wait3A = arith.constant 0 : i32
      %dma_wait3A_214 = tpu.memref_slice %arg11[%add3A_41, %dma_wait3A] : memref<10240x128xf32, #tpu.memory_space<vmem_shared>> -> memref<16x128xf32, #tpu.memory_space<vmem_shared>>
      %dma_wait3A_215 = arith.constant 0 : i32
      %dma_wait3A_216 = tpu.memref_slice %arg11[%add3A_41, %dma_wait3A_215] : memref<10240x128xf32, #tpu.memory_space<vmem_shared>> -> memref<16x128xf32, #tpu.memory_space<vmem_shared>>
      tpu.wait_dma2 semaphore(%run_scoped3A : memref<!tpu.dma_semaphore, #tpu.memory_space<semaphore_mem>>) src(%arg10 : memref<16x128xf32, #tpu.memory_space<vmem>>) dst(%dma_wait3A_216 : memref<16x128xf32, #tpu.memory_space<vmem_shared>>)
      tpu.yield
    }) : () -> ()
    %mul3A_42 = arith.constant 640 : i32
    %mul3A_43 = arith.muli %arg1, %mul3A_42 : i32
    %add3A_44 = arith.constant 144 : i32
    %add3A_45 = arith.addi %mul3A_43, %add3A_44 : i32
    "tpu.region"() ({
      %run_scoped3A = tpu.sem_alloc : memref<!tpu.dma_semaphore, #tpu.memory_space<semaphore_mem>>
      %dma_start3A_210 = arith.constant 0 : i32
      %dma_start3A_211 = tpu.memref_slice %arg11[%add3A_45, %dma_start3A_210] : memref<10240x128xf32, #tpu.memory_space<vmem_shared>> -> memref<16x128xf32, #tpu.memory_space<vmem_shared>>
      %dma_start3A_212 = arith.constant 0 : i32
      %dma_start3A_213 = tpu.memref_slice %arg11[%add3A_45, %dma_start3A_212] : memref<10240x128xf32, #tpu.memory_space<vmem_shared>> -> memref<16x128xf32, #tpu.memory_space<vmem_shared>>
      tpu.enqueue_dma source(%arg10 : memref<16x128xf32, #tpu.memory_space<vmem>>) target(%dma_start3A_213 : memref<16x128xf32, #tpu.memory_space<vmem_shared>>) target_semaphore(%run_scoped3A : memref<!tpu.dma_semaphore, #tpu.memory_space<semaphore_mem>>)
      %dma_wait3A = arith.constant 0 : i32
      %dma_wait3A_214 = tpu.memref_slice %arg11[%add3A_45, %dma_wait3A] : memref<10240x128xf32, #tpu.memory_space<vmem_shared>> -> memref<16x128xf32, #tpu.memory_space<vmem_shared>>
      %dma_wait3A_215 = arith.constant 0 : i32
      %dma_wait3A_216 = tpu.memref_slice %arg11[%add3A_45, %dma_wait3A_215] : memref<10240x128xf32, #tpu.memory_space<vmem_shared>> -> memref<16x128xf32, #tpu.memory_space<vmem_shared>>
      tpu.wait_dma2 semaphore(%run_scoped3A : memref<!tpu.dma_semaphore, #tpu.memory_space<semaphore_mem>>) src(%arg10 : memref<16x128xf32, #tpu.memory_space<vmem>>) dst(%dma_wait3A_216 : memref<16x128xf32, #tpu.memory_space<vmem_shared>>)
      tpu.yield
    }) : () -> ()
    %mul3A_46 = arith.constant 640 : i32
    %mul3A_47 = arith.muli %arg1, %mul3A_46 : i32
    %add3A_48 = arith.constant 160 : i32
    %add3A_49 = arith.addi %mul3A_47, %add3A_48 : i32
    "tpu.region"() ({
      %run_scoped3A = tpu.sem_alloc : memref<!tpu.dma_semaphore, #tpu.memory_space<semaphore_mem>>
      %dma_start3A_210 = arith.constant 0 : i32
      %dma_start3A_211 = tpu.memref_slice %arg11[%add3A_49, %dma_start3A_210] : memref<10240x128xf32, #tpu.memory_space<vmem_shared>> -> memref<16x128xf32, #tpu.memory_space<vmem_shared>>
      %dma_start3A_212 = arith.constant 0 : i32
      %dma_start3A_213 = tpu.memref_slice %arg11[%add3A_49, %dma_start3A_212] : memref<10240x128xf32, #tpu.memory_space<vmem_shared>> -> memref<16x128xf32, #tpu.memory_space<vmem_shared>>
      tpu.enqueue_dma source(%arg10 : memref<16x128xf32, #tpu.memory_space<vmem>>) target(%dma_start3A_213 : memref<16x128xf32, #tpu.memory_space<vmem_shared>>) target_semaphore(%run_scoped3A : memref<!tpu.dma_semaphore, #tpu.memory_space<semaphore_mem>>)
      %dma_wait3A = arith.constant 0 : i32
      %dma_wait3A_214 = tpu.memref_slice %arg11[%add3A_49, %dma_wait3A] : memref<10240x128xf32, #tpu.memory_space<vmem_shared>> -> memref<16x128xf32, #tpu.memory_space<vmem_shared>>
      %dma_wait3A_215 = arith.constant 0 : i32
      %dma_wait3A_216 = tpu.memref_slice %arg11[%add3A_49, %dma_wait3A_215] : memref<10240x128xf32, #tpu.memory_space<vmem_shared>> -> memref<16x128xf32, #tpu.memory_space<vmem_shared>>
      tpu.wait_dma2 semaphore(%run_scoped3A : memref<!tpu.dma_semaphore, #tpu.memory_space<semaphore_mem>>) src(%arg10 : memref<16x128xf32, #tpu.memory_space<vmem>>) dst(%dma_wait3A_216 : memref<16x128xf32, #tpu.memory_space<vmem_shared>>)
      tpu.yield
    }) : () -> ()
    %mul3A_50 = arith.constant 640 : i32
    %mul3A_51 = arith.muli %arg1, %mul3A_50 : i32
    %add3A_52 = arith.constant 176 : i32
    %add3A_53 = arith.addi %mul3A_51, %add3A_52 : i32
    "tpu.region"() ({
      %run_scoped3A = tpu.sem_alloc : memref<!tpu.dma_semaphore, #tpu.memory_space<semaphore_mem>>
      %dma_start3A_210 = arith.constant 0 : i32
      %dma_start3A_211 = tpu.memref_slice %arg11[%add3A_53, %dma_start3A_210] : memref<10240x128xf32, #tpu.memory_space<vmem_shared>> -> memref<16x128xf32, #tpu.memory_space<vmem_shared>>
      %dma_start3A_212 = arith.constant 0 : i32
      %dma_start3A_213 = tpu.memref_slice %arg11[%add3A_53, %dma_start3A_212] : memref<10240x128xf32, #tpu.memory_space<vmem_shared>> -> memref<16x128xf32, #tpu.memory_space<vmem_shared>>
      tpu.enqueue_dma source(%arg10 : memref<16x128xf32, #tpu.memory_space<vmem>>) target(%dma_start3A_213 : memref<16x128xf32, #tpu.memory_space<vmem_shared>>) target_semaphore(%run_scoped3A : memref<!tpu.dma_semaphore, #tpu.memory_space<semaphore_mem>>)
      %dma_wait3A = arith.constant 0 : i32
      %dma_wait3A_214 = tpu.memref_slice %arg11[%add3A_53, %dma_wait3A] : memref<10240x128xf32, #tpu.memory_space<vmem_shared>> -> memref<16x128xf32, #tpu.memory_space<vmem_shared>>
      %dma_wait3A_215 = arith.constant 0 : i32
      %dma_wait3A_216 = tpu.memref_slice %arg11[%add3A_53, %dma_wait3A_215] : memref<10240x128xf32, #tpu.memory_space<vmem_shared>> -> memref<16x128xf32, #tpu.memory_space<vmem_shared>>
      tpu.wait_dma2 semaphore(%run_scoped3A : memref<!tpu.dma_semaphore, #tpu.memory_space<semaphore_mem>>) src(%arg10 : memref<16x128xf32, #tpu.memory_space<vmem>>) dst(%dma_wait3A_216 : memref<16x128xf32, #tpu.memory_space<vmem_shared>>)
      tpu.yield
    }) : () -> ()
    %mul3A_54 = arith.constant 640 : i32
    %mul3A_55 = arith.muli %arg1, %mul3A_54 : i32
    %add3A_56 = arith.constant 192 : i32
    %add3A_57 = arith.addi %mul3A_55, %add3A_56 : i32
    "tpu.region"() ({
      %run_scoped3A = tpu.sem_alloc : memref<!tpu.dma_semaphore, #tpu.memory_space<semaphore_mem>>
      %dma_start3A_210 = arith.constant 0 : i32
      %dma_start3A_211 = tpu.memref_slice %arg11[%add3A_57, %dma_start3A_210] : memref<10240x128xf32, #tpu.memory_space<vmem_shared>> -> memref<16x128xf32, #tpu.memory_space<vmem_shared>>
      %dma_start3A_212 = arith.constant 0 : i32
      %dma_start3A_213 = tpu.memref_slice %arg11[%add3A_57, %dma_start3A_212] : memref<10240x128xf32, #tpu.memory_space<vmem_shared>> -> memref<16x128xf32, #tpu.memory_space<vmem_shared>>
      tpu.enqueue_dma source(%arg10 : memref<16x128xf32, #tpu.memory_space<vmem>>) target(%dma_start3A_213 : memref<16x128xf32, #tpu.memory_space<vmem_shared>>) target_semaphore(%run_scoped3A : memref<!tpu.dma_semaphore, #tpu.memory_space<semaphore_mem>>)
      %dma_wait3A = arith.constant 0 : i32
      %dma_wait3A_214 = tpu.memref_slice %arg11[%add3A_57, %dma_wait3A] : memref<10240x128xf32, #tpu.memory_space<vmem_shared>> -> memref<16x128xf32, #tpu.memory_space<vmem_shared>>
      %dma_wait3A_215 = arith.constant 0 : i32
      %dma_wait3A_216 = tpu.memref_slice %arg11[%add3A_57, %dma_wait3A_215] : memref<10240x128xf32, #tpu.memory_space<vmem_shared>> -> memref<16x128xf32, #tpu.memory_space<vmem_shared>>
      tpu.wait_dma2 semaphore(%run_scoped3A : memref<!tpu.dma_semaphore, #tpu.memory_space<semaphore_mem>>) src(%arg10 : memref<16x128xf32, #tpu.memory_space<vmem>>) dst(%dma_wait3A_216 : memref<16x128xf32, #tpu.memory_space<vmem_shared>>)
      tpu.yield
    }) : () -> ()
    %mul3A_58 = arith.constant 640 : i32
    %mul3A_59 = arith.muli %arg1, %mul3A_58 : i32
    %add3A_60 = arith.constant 208 : i32
    %add3A_61 = arith.addi %mul3A_59, %add3A_60 : i32
    "tpu.region"() ({
      %run_scoped3A = tpu.sem_alloc : memref<!tpu.dma_semaphore, #tpu.memory_space<semaphore_mem>>
      %dma_start3A_210 = arith.constant 0 : i32
      %dma_start3A_211 = tpu.memref_slice %arg11[%add3A_61, %dma_start3A_210] : memref<10240x128xf32, #tpu.memory_space<vmem_shared>> -> memref<16x128xf32, #tpu.memory_space<vmem_shared>>
      %dma_start3A_212 = arith.constant 0 : i32
      %dma_start3A_213 = tpu.memref_slice %arg11[%add3A_61, %dma_start3A_212] : memref<10240x128xf32, #tpu.memory_space<vmem_shared>> -> memref<16x128xf32, #tpu.memory_space<vmem_shared>>
      tpu.enqueue_dma source(%arg10 : memref<16x128xf32, #tpu.memory_space<vmem>>) target(%dma_start3A_213 : memref<16x128xf32, #tpu.memory_space<vmem_shared>>) target_semaphore(%run_scoped3A : memref<!tpu.dma_semaphore, #tpu.memory_space<semaphore_mem>>)
      %dma_wait3A = arith.constant 0 : i32
      %dma_wait3A_214 = tpu.memref_slice %arg11[%add3A_61, %dma_wait3A] : memref<10240x128xf32, #tpu.memory_space<vmem_shared>> -> memref<16x128xf32, #tpu.memory_space<vmem_shared>>
      %dma_wait3A_215 = arith.constant 0 : i32
      %dma_wait3A_216 = tpu.memref_slice %arg11[%add3A_61, %dma_wait3A_215] : memref<10240x128xf32, #tpu.memory_space<vmem_shared>> -> memref<16x128xf32, #tpu.memory_space<vmem_shared>>
      tpu.wait_dma2 semaphore(%run_scoped3A : memref<!tpu.dma_semaphore, #tpu.memory_space<semaphore_mem>>) src(%arg10 : memref<16x128xf32, #tpu.memory_space<vmem>>) dst(%dma_wait3A_216 : memref<16x128xf32, #tpu.memory_space<vmem_shared>>)
      tpu.yield
    }) : () -> ()
    %mul3A_62 = arith.constant 640 : i32
    %mul3A_63 = arith.muli %arg1, %mul3A_62 : i32
    %add3A_64 = arith.constant 224 : i32
    %add3A_65 = arith.addi %mul3A_63, %add3A_64 : i32
    "tpu.region"() ({
      %run_scoped3A = tpu.sem_alloc : memref<!tpu.dma_semaphore, #tpu.memory_space<semaphore_mem>>
      %dma_start3A_210 = arith.constant 0 : i32
      %dma_start3A_211 = tpu.memref_slice %arg11[%add3A_65, %dma_start3A_210] : memref<10240x128xf32, #tpu.memory_space<vmem_shared>> -> memref<16x128xf32, #tpu.memory_space<vmem_shared>>
      %dma_start3A_212 = arith.constant 0 : i32
      %dma_start3A_213 = tpu.memref_slice %arg11[%add3A_65, %dma_start3A_212] : memref<10240x128xf32, #tpu.memory_space<vmem_shared>> -> memref<16x128xf32, #tpu.memory_space<vmem_shared>>
      tpu.enqueue_dma source(%arg10 : memref<16x128xf32, #tpu.memory_space<vmem>>) target(%dma_start3A_213 : memref<16x128xf32, #tpu.memory_space<vmem_shared>>) target_semaphore(%run_scoped3A : memref<!tpu.dma_semaphore, #tpu.memory_space<semaphore_mem>>)
      %dma_wait3A = arith.constant 0 : i32
      %dma_wait3A_214 = tpu.memref_slice %arg11[%add3A_65, %dma_wait3A] : memref<10240x128xf32, #tpu.memory_space<vmem_shared>> -> memref<16x128xf32, #tpu.memory_space<vmem_shared>>
      %dma_wait3A_215 = arith.constant 0 : i32
      %dma_wait3A_216 = tpu.memref_slice %arg11[%add3A_65, %dma_wait3A_215] : memref<10240x128xf32, #tpu.memory_space<vmem_shared>> -> memref<16x128xf32, #tpu.memory_space<vmem_shared>>
      tpu.wait_dma2 semaphore(%run_scoped3A : memref<!tpu.dma_semaphore, #tpu.memory_space<semaphore_mem>>) src(%arg10 : memref<16x128xf32, #tpu.memory_space<vmem>>) dst(%dma_wait3A_216 : memref<16x128xf32, #tpu.memory_space<vmem_shared>>)
      tpu.yield
    }) : () -> ()
    %mul3A_66 = arith.constant 640 : i32
    %mul3A_67 = arith.muli %arg1, %mul3A_66 : i32
    %add3A_68 = arith.constant 240 : i32
    %add3A_69 = arith.addi %mul3A_67, %add3A_68 : i32
    "tpu.region"() ({
      %run_scoped3A = tpu.sem_alloc : memref<!tpu.dma_semaphore, #tpu.memory_space<semaphore_mem>>
      %dma_start3A_210 = arith.constant 0 : i32
      %dma_start3A_211 = tpu.memref_slice %arg11[%add3A_69, %dma_start3A_210] : memref<10240x128xf32, #tpu.memory_space<vmem_shared>> -> memref<16x128xf32, #tpu.memory_space<vmem_shared>>
      %dma_start3A_212 = arith.constant 0 : i32
      %dma_start3A_213 = tpu.memref_slice %arg11[%add3A_69, %dma_start3A_212] : memref<10240x128xf32, #tpu.memory_space<vmem_shared>> -> memref<16x128xf32, #tpu.memory_space<vmem_shared>>
      tpu.enqueue_dma source(%arg10 : memref<16x128xf32, #tpu.memory_space<vmem>>) target(%dma_start3A_213 : memref<16x128xf32, #tpu.memory_space<vmem_shared>>) target_semaphore(%run_scoped3A : memref<!tpu.dma_semaphore, #tpu.memory_space<semaphore_mem>>)
      %dma_wait3A = arith.constant 0 : i32
      %dma_wait3A_214 = tpu.memref_slice %arg11[%add3A_69, %dma_wait3A] : memref<10240x128xf32, #tpu.memory_space<vmem_shared>> -> memref<16x128xf32, #tpu.memory_space<vmem_shared>>
      %dma_wait3A_215 = arith.constant 0 : i32
      %dma_wait3A_216 = tpu.memref_slice %arg11[%add3A_69, %dma_wait3A_215] : memref<10240x128xf32, #tpu.memory_space<vmem_shared>> -> memref<16x128xf32, #tpu.memory_space<vmem_shared>>
      tpu.wait_dma2 semaphore(%run_scoped3A : memref<!tpu.dma_semaphore, #tpu.memory_space<semaphore_mem>>) src(%arg10 : memref<16x128xf32, #tpu.memory_space<vmem>>) dst(%dma_wait3A_216 : memref<16x128xf32, #tpu.memory_space<vmem_shared>>)
      tpu.yield
    }) : () -> ()
    %mul3A_70 = arith.constant 640 : i32
    %mul3A_71 = arith.muli %arg1, %mul3A_70 : i32
    %add3A_72 = arith.constant 256 : i32
    %add3A_73 = arith.addi %mul3A_71, %add3A_72 : i32
    "tpu.region"() ({
      %run_scoped3A = tpu.sem_alloc : memref<!tpu.dma_semaphore, #tpu.memory_space<semaphore_mem>>
      %dma_start3A_210 = arith.constant 0 : i32
      %dma_start3A_211 = tpu.memref_slice %arg11[%add3A_73, %dma_start3A_210] : memref<10240x128xf32, #tpu.memory_space<vmem_shared>> -> memref<16x128xf32, #tpu.memory_space<vmem_shared>>
      %dma_start3A_212 = arith.constant 0 : i32
      %dma_start3A_213 = tpu.memref_slice %arg11[%add3A_73, %dma_start3A_212] : memref<10240x128xf32, #tpu.memory_space<vmem_shared>> -> memref<16x128xf32, #tpu.memory_space<vmem_shared>>
      tpu.enqueue_dma source(%arg10 : memref<16x128xf32, #tpu.memory_space<vmem>>) target(%dma_start3A_213 : memref<16x128xf32, #tpu.memory_space<vmem_shared>>) target_semaphore(%run_scoped3A : memref<!tpu.dma_semaphore, #tpu.memory_space<semaphore_mem>>)
      %dma_wait3A = arith.constant 0 : i32
      %dma_wait3A_214 = tpu.memref_slice %arg11[%add3A_73, %dma_wait3A] : memref<10240x128xf32, #tpu.memory_space<vmem_shared>> -> memref<16x128xf32, #tpu.memory_space<vmem_shared>>
      %dma_wait3A_215 = arith.constant 0 : i32
      %dma_wait3A_216 = tpu.memref_slice %arg11[%add3A_73, %dma_wait3A_215] : memref<10240x128xf32, #tpu.memory_space<vmem_shared>> -> memref<16x128xf32, #tpu.memory_space<vmem_shared>>
      tpu.wait_dma2 semaphore(%run_scoped3A : memref<!tpu.dma_semaphore, #tpu.memory_space<semaphore_mem>>) src(%arg10 : memref<16x128xf32, #tpu.memory_space<vmem>>) dst(%dma_wait3A_216 : memref<16x128xf32, #tpu.memory_space<vmem_shared>>)
      tpu.yield
    }) : () -> ()
    %mul3A_74 = arith.constant 640 : i32
    %mul3A_75 = arith.muli %arg1, %mul3A_74 : i32
    %add3A_76 = arith.constant 272 : i32
    %add3A_77 = arith.addi %mul3A_75, %add3A_76 : i32
    "tpu.region"() ({
      %run_scoped3A = tpu.sem_alloc : memref<!tpu.dma_semaphore, #tpu.memory_space<semaphore_mem>>
      %dma_start3A_210 = arith.constant 0 : i32
      %dma_start3A_211 = tpu.memref_slice %arg11[%add3A_77, %dma_start3A_210] : memref<10240x128xf32, #tpu.memory_space<vmem_shared>> -> memref<16x128xf32, #tpu.memory_space<vmem_shared>>
      %dma_start3A_212 = arith.constant 0 : i32
      %dma_start3A_213 = tpu.memref_slice %arg11[%add3A_77, %dma_start3A_212] : memref<10240x128xf32, #tpu.memory_space<vmem_shared>> -> memref<16x128xf32, #tpu.memory_space<vmem_shared>>
      tpu.enqueue_dma source(%arg10 : memref<16x128xf32, #tpu.memory_space<vmem>>) target(%dma_start3A_213 : memref<16x128xf32, #tpu.memory_space<vmem_shared>>) target_semaphore(%run_scoped3A : memref<!tpu.dma_semaphore, #tpu.memory_space<semaphore_mem>>)
      %dma_wait3A = arith.constant 0 : i32
      %dma_wait3A_214 = tpu.memref_slice %arg11[%add3A_77, %dma_wait3A] : memref<10240x128xf32, #tpu.memory_space<vmem_shared>> -> memref<16x128xf32, #tpu.memory_space<vmem_shared>>
      %dma_wait3A_215 = arith.constant 0 : i32
      %dma_wait3A_216 = tpu.memref_slice %arg11[%add3A_77, %dma_wait3A_215] : memref<10240x128xf32, #tpu.memory_space<vmem_shared>> -> memref<16x128xf32, #tpu.memory_space<vmem_shared>>
      tpu.wait_dma2 semaphore(%run_scoped3A : memref<!tpu.dma_semaphore, #tpu.memory_space<semaphore_mem>>) src(%arg10 : memref<16x128xf32, #tpu.memory_space<vmem>>) dst(%dma_wait3A_216 : memref<16x128xf32, #tpu.memory_space<vmem_shared>>)
      tpu.yield
    }) : () -> ()
    %mul3A_78 = arith.constant 640 : i32
    %mul3A_79 = arith.muli %arg1, %mul3A_78 : i32
    %add3A_80 = arith.constant 288 : i32
    %add3A_81 = arith.addi %mul3A_79, %add3A_80 : i32
    "tpu.region"() ({
      %run_scoped3A = tpu.sem_alloc : memref<!tpu.dma_semaphore, #tpu.memory_space<semaphore_mem>>
      %dma_start3A_210 = arith.constant 0 : i32
      %dma_start3A_211 = tpu.memref_slice %arg11[%add3A_81, %dma_start3A_210] : memref<10240x128xf32, #tpu.memory_space<vmem_shared>> -> memref<16x128xf32, #tpu.memory_space<vmem_shared>>
      %dma_start3A_212 = arith.constant 0 : i32
      %dma_start3A_213 = tpu.memref_slice %arg11[%add3A_81, %dma_start3A_212] : memref<10240x128xf32, #tpu.memory_space<vmem_shared>> -> memref<16x128xf32, #tpu.memory_space<vmem_shared>>
      tpu.enqueue_dma source(%arg10 : memref<16x128xf32, #tpu.memory_space<vmem>>) target(%dma_start3A_213 : memref<16x128xf32, #tpu.memory_space<vmem_shared>>) target_semaphore(%run_scoped3A : memref<!tpu.dma_semaphore, #tpu.memory_space<semaphore_mem>>)
      %dma_wait3A = arith.constant 0 : i32
      %dma_wait3A_214 = tpu.memref_slice %arg11[%add3A_81, %dma_wait3A] : memref<10240x128xf32, #tpu.memory_space<vmem_shared>> -> memref<16x128xf32, #tpu.memory_space<vmem_shared>>
      %dma_wait3A_215 = arith.constant 0 : i32
      %dma_wait3A_216 = tpu.memref_slice %arg11[%add3A_81, %dma_wait3A_215] : memref<10240x128xf32, #tpu.memory_space<vmem_shared>> -> memref<16x128xf32, #tpu.memory_space<vmem_shared>>
      tpu.wait_dma2 semaphore(%run_scoped3A : memref<!tpu.dma_semaphore, #tpu.memory_space<semaphore_mem>>) src(%arg10 : memref<16x128xf32, #tpu.memory_space<vmem>>) dst(%dma_wait3A_216 : memref<16x128xf32, #tpu.memory_space<vmem_shared>>)
      tpu.yield
    }) : () -> ()
    %mul3A_82 = arith.constant 640 : i32
    %mul3A_83 = arith.muli %arg1, %mul3A_82 : i32
    %add3A_84 = arith.constant 304 : i32
    %add3A_85 = arith.addi %mul3A_83, %add3A_84 : i32
    "tpu.region"() ({
      %run_scoped3A = tpu.sem_alloc : memref<!tpu.dma_semaphore, #tpu.memory_space<semaphore_mem>>
      %dma_start3A_210 = arith.constant 0 : i32
      %dma_start3A_211 = tpu.memref_slice %arg11[%add3A_85, %dma_start3A_210] : memref<10240x128xf32, #tpu.memory_space<vmem_shared>> -> memref<16x128xf32, #tpu.memory_space<vmem_shared>>
      %dma_start3A_212 = arith.constant 0 : i32
      %dma_start3A_213 = tpu.memref_slice %arg11[%add3A_85, %dma_start3A_212] : memref<10240x128xf32, #tpu.memory_space<vmem_shared>> -> memref<16x128xf32, #tpu.memory_space<vmem_shared>>
      tpu.enqueue_dma source(%arg10 : memref<16x128xf32, #tpu.memory_space<vmem>>) target(%dma_start3A_213 : memref<16x128xf32, #tpu.memory_space<vmem_shared>>) target_semaphore(%run_scoped3A : memref<!tpu.dma_semaphore, #tpu.memory_space<semaphore_mem>>)
      %dma_wait3A = arith.constant 0 : i32
      %dma_wait3A_214 = tpu.memref_slice %arg11[%add3A_85, %dma_wait3A] : memref<10240x128xf32, #tpu.memory_space<vmem_shared>> -> memref<16x128xf32, #tpu.memory_space<vmem_shared>>
      %dma_wait3A_215 = arith.constant 0 : i32
      %dma_wait3A_216 = tpu.memref_slice %arg11[%add3A_85, %dma_wait3A_215] : memref<10240x128xf32, #tpu.memory_space<vmem_shared>> -> memref<16x128xf32, #tpu.memory_space<vmem_shared>>
      tpu.wait_dma2 semaphore(%run_scoped3A : memref<!tpu.dma_semaphore, #tpu.memory_space<semaphore_mem>>) src(%arg10 : memref<16x128xf32, #tpu.memory_space<vmem>>) dst(%dma_wait3A_216 : memref<16x128xf32, #tpu.memory_space<vmem_shared>>)
      tpu.yield
    }) : () -> ()
    %mul3A_86 = arith.constant 640 : i32
    %mul3A_87 = arith.muli %arg1, %mul3A_86 : i32
    %add3A_88 = arith.constant 320 : i32
    %add3A_89 = arith.addi %mul3A_87, %add3A_88 : i32
    "tpu.region"() ({
      %run_scoped3A = tpu.sem_alloc : memref<!tpu.dma_semaphore, #tpu.memory_space<semaphore_mem>>
      %dma_start3A_210 = arith.constant 0 : i32
      %dma_start3A_211 = tpu.memref_slice %arg11[%add3A_89, %dma_start3A_210] : memref<10240x128xf32, #tpu.memory_space<vmem_shared>> -> memref<16x128xf32, #tpu.memory_space<vmem_shared>>
      %dma_start3A_212 = arith.constant 0 : i32
      %dma_start3A_213 = tpu.memref_slice %arg11[%add3A_89, %dma_start3A_212] : memref<10240x128xf32, #tpu.memory_space<vmem_shared>> -> memref<16x128xf32, #tpu.memory_space<vmem_shared>>
      tpu.enqueue_dma source(%arg10 : memref<16x128xf32, #tpu.memory_space<vmem>>) target(%dma_start3A_213 : memref<16x128xf32, #tpu.memory_space<vmem_shared>>) target_semaphore(%run_scoped3A : memref<!tpu.dma_semaphore, #tpu.memory_space<semaphore_mem>>)
      %dma_wait3A = arith.constant 0 : i32
      %dma_wait3A_214 = tpu.memref_slice %arg11[%add3A_89, %dma_wait3A] : memref<10240x128xf32, #tpu.memory_space<vmem_shared>> -> memref<16x128xf32, #tpu.memory_space<vmem_shared>>
      %dma_wait3A_215 = arith.constant 0 : i32
      %dma_wait3A_216 = tpu.memref_slice %arg11[%add3A_89, %dma_wait3A_215] : memref<10240x128xf32, #tpu.memory_space<vmem_shared>> -> memref<16x128xf32, #tpu.memory_space<vmem_shared>>
      tpu.wait_dma2 semaphore(%run_scoped3A : memref<!tpu.dma_semaphore, #tpu.memory_space<semaphore_mem>>) src(%arg10 : memref<16x128xf32, #tpu.memory_space<vmem>>) dst(%dma_wait3A_216 : memref<16x128xf32, #tpu.memory_space<vmem_shared>>)
      tpu.yield
    }) : () -> ()
    %mul3A_90 = arith.constant 640 : i32
    %mul3A_91 = arith.muli %arg1, %mul3A_90 : i32
    %add3A_92 = arith.constant 336 : i32
    %add3A_93 = arith.addi %mul3A_91, %add3A_92 : i32
    "tpu.region"() ({
      %run_scoped3A = tpu.sem_alloc : memref<!tpu.dma_semaphore, #tpu.memory_space<semaphore_mem>>
      %dma_start3A_210 = arith.constant 0 : i32
      %dma_start3A_211 = tpu.memref_slice %arg11[%add3A_93, %dma_start3A_210] : memref<10240x128xf32, #tpu.memory_space<vmem_shared>> -> memref<16x128xf32, #tpu.memory_space<vmem_shared>>
      %dma_start3A_212 = arith.constant 0 : i32
      %dma_start3A_213 = tpu.memref_slice %arg11[%add3A_93, %dma_start3A_212] : memref<10240x128xf32, #tpu.memory_space<vmem_shared>> -> memref<16x128xf32, #tpu.memory_space<vmem_shared>>
      tpu.enqueue_dma source(%arg10 : memref<16x128xf32, #tpu.memory_space<vmem>>) target(%dma_start3A_213 : memref<16x128xf32, #tpu.memory_space<vmem_shared>>) target_semaphore(%run_scoped3A : memref<!tpu.dma_semaphore, #tpu.memory_space<semaphore_mem>>)
      %dma_wait3A = arith.constant 0 : i32
      %dma_wait3A_214 = tpu.memref_slice %arg11[%add3A_93, %dma_wait3A] : memref<10240x128xf32, #tpu.memory_space<vmem_shared>> -> memref<16x128xf32, #tpu.memory_space<vmem_shared>>
      %dma_wait3A_215 = arith.constant 0 : i32
      %dma_wait3A_216 = tpu.memref_slice %arg11[%add3A_93, %dma_wait3A_215] : memref<10240x128xf32, #tpu.memory_space<vmem_shared>> -> memref<16x128xf32, #tpu.memory_space<vmem_shared>>
      tpu.wait_dma2 semaphore(%run_scoped3A : memref<!tpu.dma_semaphore, #tpu.memory_space<semaphore_mem>>) src(%arg10 : memref<16x128xf32, #tpu.memory_space<vmem>>) dst(%dma_wait3A_216 : memref<16x128xf32, #tpu.memory_space<vmem_shared>>)
      tpu.yield
    }) : () -> ()
    %mul3A_94 = arith.constant 640 : i32
    %mul3A_95 = arith.muli %arg1, %mul3A_94 : i32
    %add3A_96 = arith.constant 352 : i32
    %add3A_97 = arith.addi %mul3A_95, %add3A_96 : i32
    "tpu.region"() ({
      %run_scoped3A = tpu.sem_alloc : memref<!tpu.dma_semaphore, #tpu.memory_space<semaphore_mem>>
      %dma_start3A_210 = arith.constant 0 : i32
      %dma_start3A_211 = tpu.memref_slice %arg11[%add3A_97, %dma_start3A_210] : memref<10240x128xf32, #tpu.memory_space<vmem_shared>> -> memref<16x128xf32, #tpu.memory_space<vmem_shared>>
      %dma_start3A_212 = arith.constant 0 : i32
      %dma_start3A_213 = tpu.memref_slice %arg11[%add3A_97, %dma_start3A_212] : memref<10240x128xf32, #tpu.memory_space<vmem_shared>> -> memref<16x128xf32, #tpu.memory_space<vmem_shared>>
      tpu.enqueue_dma source(%arg10 : memref<16x128xf32, #tpu.memory_space<vmem>>) target(%dma_start3A_213 : memref<16x128xf32, #tpu.memory_space<vmem_shared>>) target_semaphore(%run_scoped3A : memref<!tpu.dma_semaphore, #tpu.memory_space<semaphore_mem>>)
      %dma_wait3A = arith.constant 0 : i32
      %dma_wait3A_214 = tpu.memref_slice %arg11[%add3A_97, %dma_wait3A] : memref<10240x128xf32, #tpu.memory_space<vmem_shared>> -> memref<16x128xf32, #tpu.memory_space<vmem_shared>>
      %dma_wait3A_215 = arith.constant 0 : i32
      %dma_wait3A_216 = tpu.memref_slice %arg11[%add3A_97, %dma_wait3A_215] : memref<10240x128xf32, #tpu.memory_space<vmem_shared>> -> memref<16x128xf32, #tpu.memory_space<vmem_shared>>
      tpu.wait_dma2 semaphore(%run_scoped3A : memref<!tpu.dma_semaphore, #tpu.memory_space<semaphore_mem>>) src(%arg10 : memref<16x128xf32, #tpu.memory_space<vmem>>) dst(%dma_wait3A_216 : memref<16x128xf32, #tpu.memory_space<vmem_shared>>)
      tpu.yield
    }) : () -> ()
    %mul3A_98 = arith.constant 640 : i32
    %mul3A_99 = arith.muli %arg1, %mul3A_98 : i32
    %add3A_100 = arith.constant 368 : i32
    %add3A_101 = arith.addi %mul3A_99, %add3A_100 : i32
    "tpu.region"() ({
      %run_scoped3A = tpu.sem_alloc : memref<!tpu.dma_semaphore, #tpu.memory_space<semaphore_mem>>
      %dma_start3A_210 = arith.constant 0 : i32
      %dma_start3A_211 = tpu.memref_slice %arg11[%add3A_101, %dma_start3A_210] : memref<10240x128xf32, #tpu.memory_space<vmem_shared>> -> memref<16x128xf32, #tpu.memory_space<vmem_shared>>
      %dma_start3A_212 = arith.constant 0 : i32
      %dma_start3A_213 = tpu.memref_slice %arg11[%add3A_101, %dma_start3A_212] : memref<10240x128xf32, #tpu.memory_space<vmem_shared>> -> memref<16x128xf32, #tpu.memory_space<vmem_shared>>
      tpu.enqueue_dma source(%arg10 : memref<16x128xf32, #tpu.memory_space<vmem>>) target(%dma_start3A_213 : memref<16x128xf32, #tpu.memory_space<vmem_shared>>) target_semaphore(%run_scoped3A : memref<!tpu.dma_semaphore, #tpu.memory_space<semaphore_mem>>)
      %dma_wait3A = arith.constant 0 : i32
      %dma_wait3A_214 = tpu.memref_slice %arg11[%add3A_101, %dma_wait3A] : memref<10240x128xf32, #tpu.memory_space<vmem_shared>> -> memref<16x128xf32, #tpu.memory_space<vmem_shared>>
      %dma_wait3A_215 = arith.constant 0 : i32
      %dma_wait3A_216 = tpu.memref_slice %arg11[%add3A_101, %dma_wait3A_215] : memref<10240x128xf32, #tpu.memory_space<vmem_shared>> -> memref<16x128xf32, #tpu.memory_space<vmem_shared>>
      tpu.wait_dma2 semaphore(%run_scoped3A : memref<!tpu.dma_semaphore, #tpu.memory_space<semaphore_mem>>) src(%arg10 : memref<16x128xf32, #tpu.memory_space<vmem>>) dst(%dma_wait3A_216 : memref<16x128xf32, #tpu.memory_space<vmem_shared>>)
      tpu.yield
    }) : () -> ()
    %mul3A_102 = arith.constant 640 : i32
    %mul3A_103 = arith.muli %arg1, %mul3A_102 : i32
    %add3A_104 = arith.constant 384 : i32
    %add3A_105 = arith.addi %mul3A_103, %add3A_104 : i32
    "tpu.region"() ({
      %run_scoped3A = tpu.sem_alloc : memref<!tpu.dma_semaphore, #tpu.memory_space<semaphore_mem>>
      %dma_start3A_210 = arith.constant 0 : i32
      %dma_start3A_211 = tpu.memref_slice %arg11[%add3A_105, %dma_start3A_210] : memref<10240x128xf32, #tpu.memory_space<vmem_shared>> -> memref<16x128xf32, #tpu.memory_space<vmem_shared>>
      %dma_start3A_212 = arith.constant 0 : i32
      %dma_start3A_213 = tpu.memref_slice %arg11[%add3A_105, %dma_start3A_212] : memref<10240x128xf32, #tpu.memory_space<vmem_shared>> -> memref<16x128xf32, #tpu.memory_space<vmem_shared>>
      tpu.enqueue_dma source(%arg10 : memref<16x128xf32, #tpu.memory_space<vmem>>) target(%dma_start3A_213 : memref<16x128xf32, #tpu.memory_space<vmem_shared>>) target_semaphore(%run_scoped3A : memref<!tpu.dma_semaphore, #tpu.memory_space<semaphore_mem>>)
      %dma_wait3A = arith.constant 0 : i32
      %dma_wait3A_214 = tpu.memref_slice %arg11[%add3A_105, %dma_wait3A] : memref<10240x128xf32, #tpu.memory_space<vmem_shared>> -> memref<16x128xf32, #tpu.memory_space<vmem_shared>>
      %dma_wait3A_215 = arith.constant 0 : i32
      %dma_wait3A_216 = tpu.memref_slice %arg11[%add3A_105, %dma_wait3A_215] : memref<10240x128xf32, #tpu.memory_space<vmem_shared>> -> memref<16x128xf32, #tpu.memory_space<vmem_shared>>
      tpu.wait_dma2 semaphore(%run_scoped3A : memref<!tpu.dma_semaphore, #tpu.memory_space<semaphore_mem>>) src(%arg10 : memref<16x128xf32, #tpu.memory_space<vmem>>) dst(%dma_wait3A_216 : memref<16x128xf32, #tpu.memory_space<vmem_shared>>)
      tpu.yield
    }) : () -> ()
    %mul3A_106 = arith.constant 640 : i32
    %mul3A_107 = arith.muli %arg1, %mul3A_106 : i32
    %add3A_108 = arith.constant 400 : i32
    %add3A_109 = arith.addi %mul3A_107, %add3A_108 : i32
    "tpu.region"() ({
      %run_scoped3A = tpu.sem_alloc : memref<!tpu.dma_semaphore, #tpu.memory_space<semaphore_mem>>
      %dma_start3A_210 = arith.constant 0 : i32
      %dma_start3A_211 = tpu.memref_slice %arg11[%add3A_109, %dma_start3A_210] : memref<10240x128xf32, #tpu.memory_space<vmem_shared>> -> memref<16x128xf32, #tpu.memory_space<vmem_shared>>
      %dma_start3A_212 = arith.constant 0 : i32
      %dma_start3A_213 = tpu.memref_slice %arg11[%add3A_109, %dma_start3A_212] : memref<10240x128xf32, #tpu.memory_space<vmem_shared>> -> memref<16x128xf32, #tpu.memory_space<vmem_shared>>
      tpu.enqueue_dma source(%arg10 : memref<16x128xf32, #tpu.memory_space<vmem>>) target(%dma_start3A_213 : memref<16x128xf32, #tpu.memory_space<vmem_shared>>) target_semaphore(%run_scoped3A : memref<!tpu.dma_semaphore, #tpu.memory_space<semaphore_mem>>)
      %dma_wait3A = arith.constant 0 : i32
      %dma_wait3A_214 = tpu.memref_slice %arg11[%add3A_109, %dma_wait3A] : memref<10240x128xf32, #tpu.memory_space<vmem_shared>> -> memref<16x128xf32, #tpu.memory_space<vmem_shared>>
      %dma_wait3A_215 = arith.constant 0 : i32
      %dma_wait3A_216 = tpu.memref_slice %arg11[%add3A_109, %dma_wait3A_215] : memref<10240x128xf32, #tpu.memory_space<vmem_shared>> -> memref<16x128xf32, #tpu.memory_space<vmem_shared>>
      tpu.wait_dma2 semaphore(%run_scoped3A : memref<!tpu.dma_semaphore, #tpu.memory_space<semaphore_mem>>) src(%arg10 : memref<16x128xf32, #tpu.memory_space<vmem>>) dst(%dma_wait3A_216 : memref<16x128xf32, #tpu.memory_space<vmem_shared>>)
      tpu.yield
    }) : () -> ()
    %mul3A_110 = arith.constant 640 : i32
    %mul3A_111 = arith.muli %arg1, %mul3A_110 : i32
    %add3A_112 = arith.constant 416 : i32
    %add3A_113 = arith.addi %mul3A_111, %add3A_112 : i32
    "tpu.region"() ({
      %run_scoped3A = tpu.sem_alloc : memref<!tpu.dma_semaphore, #tpu.memory_space<semaphore_mem>>
      %dma_start3A_210 = arith.constant 0 : i32
      %dma_start3A_211 = tpu.memref_slice %arg11[%add3A_113, %dma_start3A_210] : memref<10240x128xf32, #tpu.memory_space<vmem_shared>> -> memref<16x128xf32, #tpu.memory_space<vmem_shared>>
      %dma_start3A_212 = arith.constant 0 : i32
      %dma_start3A_213 = tpu.memref_slice %arg11[%add3A_113, %dma_start3A_212] : memref<10240x128xf32, #tpu.memory_space<vmem_shared>> -> memref<16x128xf32, #tpu.memory_space<vmem_shared>>
      tpu.enqueue_dma source(%arg10 : memref<16x128xf32, #tpu.memory_space<vmem>>) target(%dma_start3A_213 : memref<16x128xf32, #tpu.memory_space<vmem_shared>>) target_semaphore(%run_scoped3A : memref<!tpu.dma_semaphore, #tpu.memory_space<semaphore_mem>>)
      %dma_wait3A = arith.constant 0 : i32
      %dma_wait3A_214 = tpu.memref_slice %arg11[%add3A_113, %dma_wait3A] : memref<10240x128xf32, #tpu.memory_space<vmem_shared>> -> memref<16x128xf32, #tpu.memory_space<vmem_shared>>
      %dma_wait3A_215 = arith.constant 0 : i32
      %dma_wait3A_216 = tpu.memref_slice %arg11[%add3A_113, %dma_wait3A_215] : memref<10240x128xf32, #tpu.memory_space<vmem_shared>> -> memref<16x128xf32, #tpu.memory_space<vmem_shared>>
      tpu.wait_dma2 semaphore(%run_scoped3A : memref<!tpu.dma_semaphore, #tpu.memory_space<semaphore_mem>>) src(%arg10 : memref<16x128xf32, #tpu.memory_space<vmem>>) dst(%dma_wait3A_216 : memref<16x128xf32, #tpu.memory_space<vmem_shared>>)
      tpu.yield
    }) : () -> ()
    %mul3A_114 = arith.constant 640 : i32
    %mul3A_115 = arith.muli %arg1, %mul3A_114 : i32
    %add3A_116 = arith.constant 432 : i32
    %add3A_117 = arith.addi %mul3A_115, %add3A_116 : i32
    "tpu.region"() ({
      %run_scoped3A = tpu.sem_alloc : memref<!tpu.dma_semaphore, #tpu.memory_space<semaphore_mem>>
      %dma_start3A_210 = arith.constant 0 : i32
      %dma_start3A_211 = tpu.memref_slice %arg11[%add3A_117, %dma_start3A_210] : memref<10240x128xf32, #tpu.memory_space<vmem_shared>> -> memref<16x128xf32, #tpu.memory_space<vmem_shared>>
      %dma_start3A_212 = arith.constant 0 : i32
      %dma_start3A_213 = tpu.memref_slice %arg11[%add3A_117, %dma_start3A_212] : memref<10240x128xf32, #tpu.memory_space<vmem_shared>> -> memref<16x128xf32, #tpu.memory_space<vmem_shared>>
      tpu.enqueue_dma source(%arg10 : memref<16x128xf32, #tpu.memory_space<vmem>>) target(%dma_start3A_213 : memref<16x128xf32, #tpu.memory_space<vmem_shared>>) target_semaphore(%run_scoped3A : memref<!tpu.dma_semaphore, #tpu.memory_space<semaphore_mem>>)
      %dma_wait3A = arith.constant 0 : i32
      %dma_wait3A_214 = tpu.memref_slice %arg11[%add3A_117, %dma_wait3A] : memref<10240x128xf32, #tpu.memory_space<vmem_shared>> -> memref<16x128xf32, #tpu.memory_space<vmem_shared>>
      %dma_wait3A_215 = arith.constant 0 : i32
      %dma_wait3A_216 = tpu.memref_slice %arg11[%add3A_117, %dma_wait3A_215] : memref<10240x128xf32, #tpu.memory_space<vmem_shared>> -> memref<16x128xf32, #tpu.memory_space<vmem_shared>>
      tpu.wait_dma2 semaphore(%run_scoped3A : memref<!tpu.dma_semaphore, #tpu.memory_space<semaphore_mem>>) src(%arg10 : memref<16x128xf32, #tpu.memory_space<vmem>>) dst(%dma_wait3A_216 : memref<16x128xf32, #tpu.memory_space<vmem_shared>>)
      tpu.yield
    }) : () -> ()
    %mul3A_118 = arith.constant 640 : i32
    %mul3A_119 = arith.muli %arg1, %mul3A_118 : i32
    %add3A_120 = arith.constant 448 : i32
    %add3A_121 = arith.addi %mul3A_119, %add3A_120 : i32
    "tpu.region"() ({
      %run_scoped3A = tpu.sem_alloc : memref<!tpu.dma_semaphore, #tpu.memory_space<semaphore_mem>>
      %dma_start3A_210 = arith.constant 0 : i32
      %dma_start3A_211 = tpu.memref_slice %arg11[%add3A_121, %dma_start3A_210] : memref<10240x128xf32, #tpu.memory_space<vmem_shared>> -> memref<16x128xf32, #tpu.memory_space<vmem_shared>>
      %dma_start3A_212 = arith.constant 0 : i32
      %dma_start3A_213 = tpu.memref_slice %arg11[%add3A_121, %dma_start3A_212] : memref<10240x128xf32, #tpu.memory_space<vmem_shared>> -> memref<16x128xf32, #tpu.memory_space<vmem_shared>>
      tpu.enqueue_dma source(%arg10 : memref<16x128xf32, #tpu.memory_space<vmem>>) target(%dma_start3A_213 : memref<16x128xf32, #tpu.memory_space<vmem_shared>>) target_semaphore(%run_scoped3A : memref<!tpu.dma_semaphore, #tpu.memory_space<semaphore_mem>>)
      %dma_wait3A = arith.constant 0 : i32
      %dma_wait3A_214 = tpu.memref_slice %arg11[%add3A_121, %dma_wait3A] : memref<10240x128xf32, #tpu.memory_space<vmem_shared>> -> memref<16x128xf32, #tpu.memory_space<vmem_shared>>
      %dma_wait3A_215 = arith.constant 0 : i32
      %dma_wait3A_216 = tpu.memref_slice %arg11[%add3A_121, %dma_wait3A_215] : memref<10240x128xf32, #tpu.memory_space<vmem_shared>> -> memref<16x128xf32, #tpu.memory_space<vmem_shared>>
      tpu.wait_dma2 semaphore(%run_scoped3A : memref<!tpu.dma_semaphore, #tpu.memory_space<semaphore_mem>>) src(%arg10 : memref<16x128xf32, #tpu.memory_space<vmem>>) dst(%dma_wait3A_216 : memref<16x128xf32, #tpu.memory_space<vmem_shared>>)
      tpu.yield
    }) : () -> ()
    %mul3A_122 = arith.constant 640 : i32
    %mul3A_123 = arith.muli %arg1, %mul3A_122 : i32
    %add3A_124 = arith.constant 464 : i32
    %add3A_125 = arith.addi %mul3A_123, %add3A_124 : i32
    "tpu.region"() ({
      %run_scoped3A = tpu.sem_alloc : memref<!tpu.dma_semaphore, #tpu.memory_space<semaphore_mem>>
      %dma_start3A_210 = arith.constant 0 : i32
      %dma_start3A_211 = tpu.memref_slice %arg11[%add3A_125, %dma_start3A_210] : memref<10240x128xf32, #tpu.memory_space<vmem_shared>> -> memref<16x128xf32, #tpu.memory_space<vmem_shared>>
      %dma_start3A_212 = arith.constant 0 : i32
      %dma_start3A_213 = tpu.memref_slice %arg11[%add3A_125, %dma_start3A_212] : memref<10240x128xf32, #tpu.memory_space<vmem_shared>> -> memref<16x128xf32, #tpu.memory_space<vmem_shared>>
      tpu.enqueue_dma source(%arg10 : memref<16x128xf32, #tpu.memory_space<vmem>>) target(%dma_start3A_213 : memref<16x128xf32, #tpu.memory_space<vmem_shared>>) target_semaphore(%run_scoped3A : memref<!tpu.dma_semaphore, #tpu.memory_space<semaphore_mem>>)
      %dma_wait3A = arith.constant 0 : i32
      %dma_wait3A_214 = tpu.memref_slice %arg11[%add3A_125, %dma_wait3A] : memref<10240x128xf32, #tpu.memory_space<vmem_shared>> -> memref<16x128xf32, #tpu.memory_space<vmem_shared>>
      %dma_wait3A_215 = arith.constant 0 : i32
      %dma_wait3A_216 = tpu.memref_slice %arg11[%add3A_125, %dma_wait3A_215] : memref<10240x128xf32, #tpu.memory_space<vmem_shared>> -> memref<16x128xf32, #tpu.memory_space<vmem_shared>>
      tpu.wait_dma2 semaphore(%run_scoped3A : memref<!tpu.dma_semaphore, #tpu.memory_space<semaphore_mem>>) src(%arg10 : memref<16x128xf32, #tpu.memory_space<vmem>>) dst(%dma_wait3A_216 : memref<16x128xf32, #tpu.memory_space<vmem_shared>>)
      tpu.yield
    }) : () -> ()
    %mul3A_126 = arith.constant 640 : i32
    %mul3A_127 = arith.muli %arg1, %mul3A_126 : i32
    %add3A_128 = arith.constant 480 : i32
    %add3A_129 = arith.addi %mul3A_127, %add3A_128 : i32
    "tpu.region"() ({
      %run_scoped3A = tpu.sem_alloc : memref<!tpu.dma_semaphore, #tpu.memory_space<semaphore_mem>>
      %dma_start3A_210 = arith.constant 0 : i32
      %dma_start3A_211 = tpu.memref_slice %arg11[%add3A_129, %dma_start3A_210] : memref<10240x128xf32, #tpu.memory_space<vmem_shared>> -> memref<16x128xf32, #tpu.memory_space<vmem_shared>>
      %dma_start3A_212 = arith.constant 0 : i32
      %dma_start3A_213 = tpu.memref_slice %arg11[%add3A_129, %dma_start3A_212] : memref<10240x128xf32, #tpu.memory_space<vmem_shared>> -> memref<16x128xf32, #tpu.memory_space<vmem_shared>>
      tpu.enqueue_dma source(%arg10 : memref<16x128xf32, #tpu.memory_space<vmem>>) target(%dma_start3A_213 : memref<16x128xf32, #tpu.memory_space<vmem_shared>>) target_semaphore(%run_scoped3A : memref<!tpu.dma_semaphore, #tpu.memory_space<semaphore_mem>>)
      %dma_wait3A = arith.constant 0 : i32
      %dma_wait3A_214 = tpu.memref_slice %arg11[%add3A_129, %dma_wait3A] : memref<10240x128xf32, #tpu.memory_space<vmem_shared>> -> memref<16x128xf32, #tpu.memory_space<vmem_shared>>
      %dma_wait3A_215 = arith.constant 0 : i32
      %dma_wait3A_216 = tpu.memref_slice %arg11[%add3A_129, %dma_wait3A_215] : memref<10240x128xf32, #tpu.memory_space<vmem_shared>> -> memref<16x128xf32, #tpu.memory_space<vmem_shared>>
      tpu.wait_dma2 semaphore(%run_scoped3A : memref<!tpu.dma_semaphore, #tpu.memory_space<semaphore_mem>>) src(%arg10 : memref<16x128xf32, #tpu.memory_space<vmem>>) dst(%dma_wait3A_216 : memref<16x128xf32, #tpu.memory_space<vmem_shared>>)
      tpu.yield
    }) : () -> ()
    %mul3A_130 = arith.constant 640 : i32
    %mul3A_131 = arith.muli %arg1, %mul3A_130 : i32
    %add3A_132 = arith.constant 496 : i32
    %add3A_133 = arith.addi %mul3A_131, %add3A_132 : i32
    "tpu.region"() ({
      %run_scoped3A = tpu.sem_alloc : memref<!tpu.dma_semaphore, #tpu.memory_space<semaphore_mem>>
      %dma_start3A_210 = arith.constant 0 : i32
      %dma_start3A_211 = tpu.memref_slice %arg11[%add3A_133, %dma_start3A_210] : memref<10240x128xf32, #tpu.memory_space<vmem_shared>> -> memref<16x128xf32, #tpu.memory_space<vmem_shared>>
      %dma_start3A_212 = arith.constant 0 : i32
      %dma_start3A_213 = tpu.memref_slice %arg11[%add3A_133, %dma_start3A_212] : memref<10240x128xf32, #tpu.memory_space<vmem_shared>> -> memref<16x128xf32, #tpu.memory_space<vmem_shared>>
      tpu.enqueue_dma source(%arg10 : memref<16x128xf32, #tpu.memory_space<vmem>>) target(%dma_start3A_213 : memref<16x128xf32, #tpu.memory_space<vmem_shared>>) target_semaphore(%run_scoped3A : memref<!tpu.dma_semaphore, #tpu.memory_space<semaphore_mem>>)
      %dma_wait3A = arith.constant 0 : i32
      %dma_wait3A_214 = tpu.memref_slice %arg11[%add3A_133, %dma_wait3A] : memref<10240x128xf32, #tpu.memory_space<vmem_shared>> -> memref<16x128xf32, #tpu.memory_space<vmem_shared>>
      %dma_wait3A_215 = arith.constant 0 : i32
      %dma_wait3A_216 = tpu.memref_slice %arg11[%add3A_133, %dma_wait3A_215] : memref<10240x128xf32, #tpu.memory_space<vmem_shared>> -> memref<16x128xf32, #tpu.memory_space<vmem_shared>>
      tpu.wait_dma2 semaphore(%run_scoped3A : memref<!tpu.dma_semaphore, #tpu.memory_space<semaphore_mem>>) src(%arg10 : memref<16x128xf32, #tpu.memory_space<vmem>>) dst(%dma_wait3A_216 : memref<16x128xf32, #tpu.memory_space<vmem_shared>>)
      tpu.yield
    }) : () -> ()
    %mul3A_134 = arith.constant 640 : i32
    %mul3A_135 = arith.muli %arg1, %mul3A_134 : i32
    %add3A_136 = arith.constant 512 : i32
    %add3A_137 = arith.addi %mul3A_135, %add3A_136 : i32
    "tpu.region"() ({
      %run_scoped3A = tpu.sem_alloc : memref<!tpu.dma_semaphore, #tpu.memory_space<semaphore_mem>>
      %dma_start3A_210 = arith.constant 0 : i32
      %dma_start3A_211 = tpu.memref_slice %arg11[%add3A_137, %dma_start3A_210] : memref<10240x128xf32, #tpu.memory_space<vmem_shared>> -> memref<16x128xf32, #tpu.memory_space<vmem_shared>>
      %dma_start3A_212 = arith.constant 0 : i32
      %dma_start3A_213 = tpu.memref_slice %arg11[%add3A_137, %dma_start3A_212] : memref<10240x128xf32, #tpu.memory_space<vmem_shared>> -> memref<16x128xf32, #tpu.memory_space<vmem_shared>>
      tpu.enqueue_dma source(%arg10 : memref<16x128xf32, #tpu.memory_space<vmem>>) target(%dma_start3A_213 : memref<16x128xf32, #tpu.memory_space<vmem_shared>>) target_semaphore(%run_scoped3A : memref<!tpu.dma_semaphore, #tpu.memory_space<semaphore_mem>>)
      %dma_wait3A = arith.constant 0 : i32
      %dma_wait3A_214 = tpu.memref_slice %arg11[%add3A_137, %dma_wait3A] : memref<10240x128xf32, #tpu.memory_space<vmem_shared>> -> memref<16x128xf32, #tpu.memory_space<vmem_shared>>
      %dma_wait3A_215 = arith.constant 0 : i32
      %dma_wait3A_216 = tpu.memref_slice %arg11[%add3A_137, %dma_wait3A_215] : memref<10240x128xf32, #tpu.memory_space<vmem_shared>> -> memref<16x128xf32, #tpu.memory_space<vmem_shared>>
      tpu.wait_dma2 semaphore(%run_scoped3A : memref<!tpu.dma_semaphore, #tpu.memory_space<semaphore_mem>>) src(%arg10 : memref<16x128xf32, #tpu.memory_space<vmem>>) dst(%dma_wait3A_216 : memref<16x128xf32, #tpu.memory_space<vmem_shared>>)
      tpu.yield
    }) : () -> ()
    %mul3A_138 = arith.constant 640 : i32
    %mul3A_139 = arith.muli %arg1, %mul3A_138 : i32
    %add3A_140 = arith.constant 528 : i32
    %add3A_141 = arith.addi %mul3A_139, %add3A_140 : i32
    "tpu.region"() ({
      %run_scoped3A = tpu.sem_alloc : memref<!tpu.dma_semaphore, #tpu.memory_space<semaphore_mem>>
      %dma_start3A_210 = arith.constant 0 : i32
      %dma_start3A_211 = tpu.memref_slice %arg11[%add3A_141, %dma_start3A_210] : memref<10240x128xf32, #tpu.memory_space<vmem_shared>> -> memref<16x128xf32, #tpu.memory_space<vmem_shared>>
      %dma_start3A_212 = arith.constant 0 : i32
      %dma_start3A_213 = tpu.memref_slice %arg11[%add3A_141, %dma_start3A_212] : memref<10240x128xf32, #tpu.memory_space<vmem_shared>> -> memref<16x128xf32, #tpu.memory_space<vmem_shared>>
      tpu.enqueue_dma source(%arg10 : memref<16x128xf32, #tpu.memory_space<vmem>>) target(%dma_start3A_213 : memref<16x128xf32, #tpu.memory_space<vmem_shared>>) target_semaphore(%run_scoped3A : memref<!tpu.dma_semaphore, #tpu.memory_space<semaphore_mem>>)
      %dma_wait3A = arith.constant 0 : i32
      %dma_wait3A_214 = tpu.memref_slice %arg11[%add3A_141, %dma_wait3A] : memref<10240x128xf32, #tpu.memory_space<vmem_shared>> -> memref<16x128xf32, #tpu.memory_space<vmem_shared>>
      %dma_wait3A_215 = arith.constant 0 : i32
      %dma_wait3A_216 = tpu.memref_slice %arg11[%add3A_141, %dma_wait3A_215] : memref<10240x128xf32, #tpu.memory_space<vmem_shared>> -> memref<16x128xf32, #tpu.memory_space<vmem_shared>>
      tpu.wait_dma2 semaphore(%run_scoped3A : memref<!tpu.dma_semaphore, #tpu.memory_space<semaphore_mem>>) src(%arg10 : memref<16x128xf32, #tpu.memory_space<vmem>>) dst(%dma_wait3A_216 : memref<16x128xf32, #tpu.memory_space<vmem_shared>>)
      tpu.yield
    }) : () -> ()
    %mul3A_142 = arith.constant 640 : i32
    %mul3A_143 = arith.muli %arg1, %mul3A_142 : i32
    %add3A_144 = arith.constant 544 : i32
    %add3A_145 = arith.addi %mul3A_143, %add3A_144 : i32
    "tpu.region"() ({
      %run_scoped3A = tpu.sem_alloc : memref<!tpu.dma_semaphore, #tpu.memory_space<semaphore_mem>>
      %dma_start3A_210 = arith.constant 0 : i32
      %dma_start3A_211 = tpu.memref_slice %arg11[%add3A_145, %dma_start3A_210] : memref<10240x128xf32, #tpu.memory_space<vmem_shared>> -> memref<16x128xf32, #tpu.memory_space<vmem_shared>>
      %dma_start3A_212 = arith.constant 0 : i32
      %dma_start3A_213 = tpu.memref_slice %arg11[%add3A_145, %dma_start3A_212] : memref<10240x128xf32, #tpu.memory_space<vmem_shared>> -> memref<16x128xf32, #tpu.memory_space<vmem_shared>>
      tpu.enqueue_dma source(%arg10 : memref<16x128xf32, #tpu.memory_space<vmem>>) target(%dma_start3A_213 : memref<16x128xf32, #tpu.memory_space<vmem_shared>>) target_semaphore(%run_scoped3A : memref<!tpu.dma_semaphore, #tpu.memory_space<semaphore_mem>>)
      %dma_wait3A = arith.constant 0 : i32
      %dma_wait3A_214 = tpu.memref_slice %arg11[%add3A_145, %dma_wait3A] : memref<10240x128xf32, #tpu.memory_space<vmem_shared>> -> memref<16x128xf32, #tpu.memory_space<vmem_shared>>
      %dma_wait3A_215 = arith.constant 0 : i32
      %dma_wait3A_216 = tpu.memref_slice %arg11[%add3A_145, %dma_wait3A_215] : memref<10240x128xf32, #tpu.memory_space<vmem_shared>> -> memref<16x128xf32, #tpu.memory_space<vmem_shared>>
      tpu.wait_dma2 semaphore(%run_scoped3A : memref<!tpu.dma_semaphore, #tpu.memory_space<semaphore_mem>>) src(%arg10 : memref<16x128xf32, #tpu.memory_space<vmem>>) dst(%dma_wait3A_216 : memref<16x128xf32, #tpu.memory_space<vmem_shared>>)
      tpu.yield
    }) : () -> ()
    %mul3A_146 = arith.constant 640 : i32
    %mul3A_147 = arith.muli %arg1, %mul3A_146 : i32
    %add3A_148 = arith.constant 560 : i32
    %add3A_149 = arith.addi %mul3A_147, %add3A_148 : i32
    "tpu.region"() ({
      %run_scoped3A = tpu.sem_alloc : memref<!tpu.dma_semaphore, #tpu.memory_space<semaphore_mem>>
      %dma_start3A_210 = arith.constant 0 : i32
      %dma_start3A_211 = tpu.memref_slice %arg11[%add3A_149, %dma_start3A_210] : memref<10240x128xf32, #tpu.memory_space<vmem_shared>> -> memref<16x128xf32, #tpu.memory_space<vmem_shared>>
      %dma_start3A_212 = arith.constant 0 : i32
      %dma_start3A_213 = tpu.memref_slice %arg11[%add3A_149, %dma_start3A_212] : memref<10240x128xf32, #tpu.memory_space<vmem_shared>> -> memref<16x128xf32, #tpu.memory_space<vmem_shared>>
      tpu.enqueue_dma source(%arg10 : memref<16x128xf32, #tpu.memory_space<vmem>>) target(%dma_start3A_213 : memref<16x128xf32, #tpu.memory_space<vmem_shared>>) target_semaphore(%run_scoped3A : memref<!tpu.dma_semaphore, #tpu.memory_space<semaphore_mem>>)
      %dma_wait3A = arith.constant 0 : i32
      %dma_wait3A_214 = tpu.memref_slice %arg11[%add3A_149, %dma_wait3A] : memref<10240x128xf32, #tpu.memory_space<vmem_shared>> -> memref<16x128xf32, #tpu.memory_space<vmem_shared>>
      %dma_wait3A_215 = arith.constant 0 : i32
      %dma_wait3A_216 = tpu.memref_slice %arg11[%add3A_149, %dma_wait3A_215] : memref<10240x128xf32, #tpu.memory_space<vmem_shared>> -> memref<16x128xf32, #tpu.memory_space<vmem_shared>>
      tpu.wait_dma2 semaphore(%run_scoped3A : memref<!tpu.dma_semaphore, #tpu.memory_space<semaphore_mem>>) src(%arg10 : memref<16x128xf32, #tpu.memory_space<vmem>>) dst(%dma_wait3A_216 : memref<16x128xf32, #tpu.memory_space<vmem_shared>>)
      tpu.yield
    }) : () -> ()
    %mul3A_150 = arith.constant 640 : i32
    %mul3A_151 = arith.muli %arg1, %mul3A_150 : i32
    %add3A_152 = arith.constant 576 : i32
    %add3A_153 = arith.addi %mul3A_151, %add3A_152 : i32
    "tpu.region"() ({
      %run_scoped3A = tpu.sem_alloc : memref<!tpu.dma_semaphore, #tpu.memory_space<semaphore_mem>>
      %dma_start3A_210 = arith.constant 0 : i32
      %dma_start3A_211 = tpu.memref_slice %arg11[%add3A_153, %dma_start3A_210] : memref<10240x128xf32, #tpu.memory_space<vmem_shared>> -> memref<16x128xf32, #tpu.memory_space<vmem_shared>>
      %dma_start3A_212 = arith.constant 0 : i32
      %dma_start3A_213 = tpu.memref_slice %arg11[%add3A_153, %dma_start3A_212] : memref<10240x128xf32, #tpu.memory_space<vmem_shared>> -> memref<16x128xf32, #tpu.memory_space<vmem_shared>>
      tpu.enqueue_dma source(%arg10 : memref<16x128xf32, #tpu.memory_space<vmem>>) target(%dma_start3A_213 : memref<16x128xf32, #tpu.memory_space<vmem_shared>>) target_semaphore(%run_scoped3A : memref<!tpu.dma_semaphore, #tpu.memory_space<semaphore_mem>>)
      %dma_wait3A = arith.constant 0 : i32
      %dma_wait3A_214 = tpu.memref_slice %arg11[%add3A_153, %dma_wait3A] : memref<10240x128xf32, #tpu.memory_space<vmem_shared>> -> memref<16x128xf32, #tpu.memory_space<vmem_shared>>
      %dma_wait3A_215 = arith.constant 0 : i32
      %dma_wait3A_216 = tpu.memref_slice %arg11[%add3A_153, %dma_wait3A_215] : memref<10240x128xf32, #tpu.memory_space<vmem_shared>> -> memref<16x128xf32, #tpu.memory_space<vmem_shared>>
      tpu.wait_dma2 semaphore(%run_scoped3A : memref<!tpu.dma_semaphore, #tpu.memory_space<semaphore_mem>>) src(%arg10 : memref<16x128xf32, #tpu.memory_space<vmem>>) dst(%dma_wait3A_216 : memref<16x128xf32, #tpu.memory_space<vmem_shared>>)
      tpu.yield
    }) : () -> ()
    %mul3A_154 = arith.constant 640 : i32
    %mul3A_155 = arith.muli %arg1, %mul3A_154 : i32
    %add3A_156 = arith.constant 592 : i32
    %add3A_157 = arith.addi %mul3A_155, %add3A_156 : i32
    "tpu.region"() ({
      %run_scoped3A = tpu.sem_alloc : memref<!tpu.dma_semaphore, #tpu.memory_space<semaphore_mem>>
      %dma_start3A_210 = arith.constant 0 : i32
      %dma_start3A_211 = tpu.memref_slice %arg11[%add3A_157, %dma_start3A_210] : memref<10240x128xf32, #tpu.memory_space<vmem_shared>> -> memref<16x128xf32, #tpu.memory_space<vmem_shared>>
      %dma_start3A_212 = arith.constant 0 : i32
      %dma_start3A_213 = tpu.memref_slice %arg11[%add3A_157, %dma_start3A_212] : memref<10240x128xf32, #tpu.memory_space<vmem_shared>> -> memref<16x128xf32, #tpu.memory_space<vmem_shared>>
      tpu.enqueue_dma source(%arg10 : memref<16x128xf32, #tpu.memory_space<vmem>>) target(%dma_start3A_213 : memref<16x128xf32, #tpu.memory_space<vmem_shared>>) target_semaphore(%run_scoped3A : memref<!tpu.dma_semaphore, #tpu.memory_space<semaphore_mem>>)
      %dma_wait3A = arith.constant 0 : i32
      %dma_wait3A_214 = tpu.memref_slice %arg11[%add3A_157, %dma_wait3A] : memref<10240x128xf32, #tpu.memory_space<vmem_shared>> -> memref<16x128xf32, #tpu.memory_space<vmem_shared>>
      %dma_wait3A_215 = arith.constant 0 : i32
      %dma_wait3A_216 = tpu.memref_slice %arg11[%add3A_157, %dma_wait3A_215] : memref<10240x128xf32, #tpu.memory_space<vmem_shared>> -> memref<16x128xf32, #tpu.memory_space<vmem_shared>>
      tpu.wait_dma2 semaphore(%run_scoped3A : memref<!tpu.dma_semaphore, #tpu.memory_space<semaphore_mem>>) src(%arg10 : memref<16x128xf32, #tpu.memory_space<vmem>>) dst(%dma_wait3A_216 : memref<16x128xf32, #tpu.memory_space<vmem_shared>>)
      tpu.yield
    }) : () -> ()
    %mul3A_158 = arith.constant 640 : i32
    %mul3A_159 = arith.muli %arg1, %mul3A_158 : i32
    %add3A_160 = arith.constant 608 : i32
    %add3A_161 = arith.addi %mul3A_159, %add3A_160 : i32
    "tpu.region"() ({
      %run_scoped3A = tpu.sem_alloc : memref<!tpu.dma_semaphore, #tpu.memory_space<semaphore_mem>>
      %dma_start3A_210 = arith.constant 0 : i32
      %dma_start3A_211 = tpu.memref_slice %arg11[%add3A_161, %dma_start3A_210] : memref<10240x128xf32, #tpu.memory_space<vmem_shared>> -> memref<16x128xf32, #tpu.memory_space<vmem_shared>>
      %dma_start3A_212 = arith.constant 0 : i32
      %dma_start3A_213 = tpu.memref_slice %arg11[%add3A_161, %dma_start3A_212] : memref<10240x128xf32, #tpu.memory_space<vmem_shared>> -> memref<16x128xf32, #tpu.memory_space<vmem_shared>>
      tpu.enqueue_dma source(%arg10 : memref<16x128xf32, #tpu.memory_space<vmem>>) target(%dma_start3A_213 : memref<16x128xf32, #tpu.memory_space<vmem_shared>>) target_semaphore(%run_scoped3A : memref<!tpu.dma_semaphore, #tpu.memory_space<semaphore_mem>>)
      %dma_wait3A = arith.constant 0 : i32
      %dma_wait3A_214 = tpu.memref_slice %arg11[%add3A_161, %dma_wait3A] : memref<10240x128xf32, #tpu.memory_space<vmem_shared>> -> memref<16x128xf32, #tpu.memory_space<vmem_shared>>
      %dma_wait3A_215 = arith.constant 0 : i32
      %dma_wait3A_216 = tpu.memref_slice %arg11[%add3A_161, %dma_wait3A_215] : memref<10240x128xf32, #tpu.memory_space<vmem_shared>> -> memref<16x128xf32, #tpu.memory_space<vmem_shared>>
      tpu.wait_dma2 semaphore(%run_scoped3A : memref<!tpu.dma_semaphore, #tpu.memory_space<semaphore_mem>>) src(%arg10 : memref<16x128xf32, #tpu.memory_space<vmem>>) dst(%dma_wait3A_216 : memref<16x128xf32, #tpu.memory_space<vmem_shared>>)
      tpu.yield
    }) : () -> ()
    %mul3A_162 = arith.constant 640 : i32
    %mul3A_163 = arith.muli %arg1, %mul3A_162 : i32
    %add3A_164 = arith.constant 624 : i32
    %add3A_165 = arith.addi %mul3A_163, %add3A_164 : i32
    "tpu.region"() ({
      %run_scoped3A = tpu.sem_alloc : memref<!tpu.dma_semaphore, #tpu.memory_space<semaphore_mem>>
      %dma_start3A_210 = arith.constant 0 : i32
      %dma_start3A_211 = tpu.memref_slice %arg11[%add3A_165, %dma_start3A_210] : memref<10240x128xf32, #tpu.memory_space<vmem_shared>> -> memref<16x128xf32, #tpu.memory_space<vmem_shared>>
      %dma_start3A_212 = arith.constant 0 : i32
      %dma_start3A_213 = tpu.memref_slice %arg11[%add3A_165, %dma_start3A_212] : memref<10240x128xf32, #tpu.memory_space<vmem_shared>> -> memref<16x128xf32, #tpu.memory_space<vmem_shared>>
      tpu.enqueue_dma source(%arg10 : memref<16x128xf32, #tpu.memory_space<vmem>>) target(%dma_start3A_213 : memref<16x128xf32, #tpu.memory_space<vmem_shared>>) target_semaphore(%run_scoped3A : memref<!tpu.dma_semaphore, #tpu.memory_space<semaphore_mem>>)
      %dma_wait3A = arith.constant 0 : i32
      %dma_wait3A_214 = tpu.memref_slice %arg11[%add3A_165, %dma_wait3A] : memref<10240x128xf32, #tpu.memory_space<vmem_shared>> -> memref<16x128xf32, #tpu.memory_space<vmem_shared>>
      %dma_wait3A_215 = arith.constant 0 : i32
      %dma_wait3A_216 = tpu.memref_slice %arg11[%add3A_165, %dma_wait3A_215] : memref<10240x128xf32, #tpu.memory_space<vmem_shared>> -> memref<16x128xf32, #tpu.memory_space<vmem_shared>>
      tpu.wait_dma2 semaphore(%run_scoped3A : memref<!tpu.dma_semaphore, #tpu.memory_space<semaphore_mem>>) src(%arg10 : memref<16x128xf32, #tpu.memory_space<vmem>>) dst(%dma_wait3A_216 : memref<16x128xf32, #tpu.memory_space<vmem_shared>>)
      tpu.yield
    }) : () -> ()
    %barrier3A = arith.constant 0 : index
    tpu.barrier barrier_id(%barrier3A)
    %dma_start3A = arith.constant 0 : i32
    %dma_start3A_166 = arith.constant 0 : i32
    %dma_start3A_167 = arith.constant 0 : i32
    %dma_start3A_168 = tpu.memref_slice %arg6[%dma_start3A, %dma_start3A_166, %dma_start3A_167] : memref<2x8x128xi32, #tpu.memory_space<vmem>> -> memref<1x8x128xi32, #tpu.memory_space<vmem>>
    %dma_start3A_169 = tpu.memref_squeeze %dma_start3A_168 : memref<1x8x128xi32, #tpu.memory_space<vmem>> -> memref<8x128xi32, #tpu.memory_space<vmem>>
    %dma_start3A_170 = arith.constant 0 : i32
    %dma_start3A_171 = arith.constant 0 : i32
    %dma_start3A_172 = tpu.memref_slice %arg3[%add3A, %dma_start3A_170, %dma_start3A_171] : memref<16x320x128xi32, #tpu.memory_space<hbm>> -> memref<1x8x128xi32, #tpu.memory_space<hbm>>
    %dma_start3A_173 = tpu.memref_squeeze %dma_start3A_172 : memref<1x8x128xi32, #tpu.memory_space<hbm>> -> memref<8x128xi32, #tpu.memory_space<hbm>>
    %dma_start3A_174 = arith.constant 0 : i32
    %dma_start3A_175 = arith.constant 0 : i32
    %dma_start3A_176 = tpu.memref_slice %arg6[%dma_start3A, %dma_start3A_174, %dma_start3A_175] : memref<2x8x128xi32, #tpu.memory_space<vmem>> -> memref<1x8x128xi32, #tpu.memory_space<vmem>>
    %dma_start3A_177 = tpu.memref_squeeze %dma_start3A_176 : memref<1x8x128xi32, #tpu.memory_space<vmem>> -> memref<8x128xi32, #tpu.memory_space<vmem>>
    %dma_start3A_178 = arith.constant 0 : i32
    %dma_start3A_179 = arith.constant 0 : i32
    %dma_start3A_180 = tpu.memref_slice %arg3[%add3A, %dma_start3A_178, %dma_start3A_179] : memref<16x320x128xi32, #tpu.memory_space<hbm>> -> memref<1x8x128xi32, #tpu.memory_space<hbm>>
    %dma_start3A_181 = tpu.memref_squeeze %dma_start3A_180 : memref<1x8x128xi32, #tpu.memory_space<hbm>> -> memref<8x128xi32, #tpu.memory_space<hbm>>
    tpu.enqueue_dma source(%dma_start3A_181 : memref<8x128xi32, #tpu.memory_space<hbm>>) target(%dma_start3A_177 : memref<8x128xi32, #tpu.memory_space<vmem>>) target_semaphore(%arg14 : memref<!tpu.dma_semaphore, #tpu.memory_space<semaphore_mem>>)
    %dma_start3A_182 = arith.constant 0 : i32
    %dma_start3A_183 = arith.constant 0 : i32
    %dma_start3A_184 = arith.constant 0 : i32
    %dma_start3A_185 = tpu.memref_slice %arg7[%dma_start3A_182, %dma_start3A_183, %dma_start3A_184] : memref<2x8x128xi32, #tpu.memory_space<vmem>> -> memref<1x8x128xi32, #tpu.memory_space<vmem>>
    %dma_start3A_186 = tpu.memref_squeeze %dma_start3A_185 : memref<1x8x128xi32, #tpu.memory_space<vmem>> -> memref<8x128xi32, #tpu.memory_space<vmem>>
    %dma_start3A_187 = arith.constant 0 : i32
    %dma_start3A_188 = arith.constant 0 : i32
    %dma_start3A_189 = tpu.memref_slice %arg4[%add3A, %dma_start3A_187, %dma_start3A_188] : memref<16x320x128xi32, #tpu.memory_space<hbm>> -> memref<1x8x128xi32, #tpu.memory_space<hbm>>
    %dma_start3A_190 = tpu.memref_squeeze %dma_start3A_189 : memref<1x8x128xi32, #tpu.memory_space<hbm>> -> memref<8x128xi32, #tpu.memory_space<hbm>>
    %dma_start3A_191 = arith.constant 0 : i32
    %dma_start3A_192 = arith.constant 0 : i32
    %dma_start3A_193 = tpu.memref_slice %arg7[%dma_start3A_182, %dma_start3A_191, %dma_start3A_192] : memref<2x8x128xi32, #tpu.memory_space<vmem>> -> memref<1x8x128xi32, #tpu.memory_space<vmem>>
    %dma_start3A_194 = tpu.memref_squeeze %dma_start3A_193 : memref<1x8x128xi32, #tpu.memory_space<vmem>> -> memref<8x128xi32, #tpu.memory_space<vmem>>
    %dma_start3A_195 = arith.constant 0 : i32
    %dma_start3A_196 = arith.constant 0 : i32
    %dma_start3A_197 = tpu.memref_slice %arg4[%add3A, %dma_start3A_195, %dma_start3A_196] : memref<16x320x128xi32, #tpu.memory_space<hbm>> -> memref<1x8x128xi32, #tpu.memory_space<hbm>>
    %dma_start3A_198 = tpu.memref_squeeze %dma_start3A_197 : memref<1x8x128xi32, #tpu.memory_space<hbm>> -> memref<8x128xi32, #tpu.memory_space<hbm>>
    tpu.enqueue_dma source(%dma_start3A_198 : memref<8x128xi32, #tpu.memory_space<hbm>>) target(%dma_start3A_194 : memref<8x128xi32, #tpu.memory_space<vmem>>) target_semaphore(%arg16 : memref<!tpu.dma_semaphore, #tpu.memory_space<semaphore_mem>>)
    %scan3A_199 = arith.constant 0 : i32
    %scan3A_200 = arith.constant 0 : i32
    %scan3A_201 = arith.constant 20 : i32
    %scan3A_202 = arith.addi %scan3A_200, %scan3A_201 : i32
    %scan3A_203 = arith.constant 1 : i32
    scf.for %scan3A_210 = %scan3A_200 to %scan3A_202 step %scan3A_203  : i32 {
      %mul3A_211 = arith.constant 2 : i32
      %mul3A_212 = arith.muli %mul3A_211, %scan3A_210 : i32
      %add3A_213 = arith.constant 1 : i32
      %add3A_214 = arith.addi %mul3A_212, %add3A_213 : i32
      %mul3A_215 = arith.constant 8 : i32
      %mul3A_216 = arith.muli %add3A_214, %mul3A_215 : i32
      %dma_start3A_217 = arith.constant 1 : i32
      %dma_start3A_218 = arith.constant 0 : i32
      %dma_start3A_219 = arith.constant 0 : i32
      %dma_start3A_220 = tpu.memref_slice %arg6[%dma_start3A_217, %dma_start3A_218, %dma_start3A_219] : memref<2x8x128xi32, #tpu.memory_space<vmem>> -> memref<1x8x128xi32, #tpu.memory_space<vmem>>
      %dma_start3A_221 = tpu.memref_squeeze %dma_start3A_220 : memref<1x8x128xi32, #tpu.memory_space<vmem>> -> memref<8x128xi32, #tpu.memory_space<vmem>>
      %dma_start3A_222 = arith.constant 0 : i32
      %dma_start3A_223 = tpu.memref_slice %arg3[%add3A, %mul3A_216, %dma_start3A_222] : memref<16x320x128xi32, #tpu.memory_space<hbm>> -> memref<1x8x128xi32, #tpu.memory_space<hbm>>
      %dma_start3A_224 = tpu.memref_squeeze %dma_start3A_223 : memref<1x8x128xi32, #tpu.memory_space<hbm>> -> memref<8x128xi32, #tpu.memory_space<hbm>>
      %dma_start3A_225 = arith.constant 0 : i32
      %dma_start3A_226 = arith.constant 0 : i32
      %dma_start3A_227 = tpu.memref_slice %arg6[%dma_start3A_217, %dma_start3A_225, %dma_start3A_226] : memref<2x8x128xi32, #tpu.memory_space<vmem>> -> memref<1x8x128xi32, #tpu.memory_space<vmem>>
      %dma_start3A_228 = tpu.memref_squeeze %dma_start3A_227 : memref<1x8x128xi32, #tpu.memory_space<vmem>> -> memref<8x128xi32, #tpu.memory_space<vmem>>
      %dma_start3A_229 = arith.constant 0 : i32
      %dma_start3A_230 = tpu.memref_slice %arg3[%add3A, %mul3A_216, %dma_start3A_229] : memref<16x320x128xi32, #tpu.memory_space<hbm>> -> memref<1x8x128xi32, #tpu.memory_space<hbm>>
      %dma_start3A_231 = tpu.memref_squeeze %dma_start3A_230 : memref<1x8x128xi32, #tpu.memory_space<hbm>> -> memref<8x128xi32, #tpu.memory_space<hbm>>
      tpu.enqueue_dma source(%dma_start3A_231 : memref<8x128xi32, #tpu.memory_space<hbm>>) target(%dma_start3A_228 : memref<8x128xi32, #tpu.memory_space<vmem>>) target_semaphore(%arg15 : memref<!tpu.dma_semaphore, #tpu.memory_space<semaphore_mem>>)
      %mul3A_232 = arith.constant 8 : i32
      %mul3A_233 = arith.muli %add3A_214, %mul3A_232 : i32
      %dma_start3A_234 = arith.constant 1 : i32
      %dma_start3A_235 = arith.constant 0 : i32
      %dma_start3A_236 = arith.constant 0 : i32
      %dma_start3A_237 = tpu.memref_slice %arg7[%dma_start3A_234, %dma_start3A_235, %dma_start3A_236] : memref<2x8x128xi32, #tpu.memory_space<vmem>> -> memref<1x8x128xi32, #tpu.memory_space<vmem>>
      %dma_start3A_238 = tpu.memref_squeeze %dma_start3A_237 : memref<1x8x128xi32, #tpu.memory_space<vmem>> -> memref<8x128xi32, #tpu.memory_space<vmem>>
      %dma_start3A_239 = arith.constant 0 : i32
      %dma_start3A_240 = tpu.memref_slice %arg4[%add3A, %mul3A_233, %dma_start3A_239] : memref<16x320x128xi32, #tpu.memory_space<hbm>> -> memref<1x8x128xi32, #tpu.memory_space<hbm>>
      %dma_start3A_241 = tpu.memref_squeeze %dma_start3A_240 : memref<1x8x128xi32, #tpu.memory_space<hbm>> -> memref<8x128xi32, #tpu.memory_space<hbm>>
      %dma_start3A_242 = arith.constant 0 : i32
      %dma_start3A_243 = arith.constant 0 : i32
      %dma_start3A_244 = tpu.memref_slice %arg7[%dma_start3A_234, %dma_start3A_242, %dma_start3A_243] : memref<2x8x128xi32, #tpu.memory_space<vmem>> -> memref<1x8x128xi32, #tpu.memory_space<vmem>>
      %dma_start3A_245 = tpu.memref_squeeze %dma_start3A_244 : memref<1x8x128xi32, #tpu.memory_space<vmem>> -> memref<8x128xi32, #tpu.memory_space<vmem>>
      %dma_start3A_246 = arith.constant 0 : i32
      %dma_start3A_247 = tpu.memref_slice %arg4[%add3A, %mul3A_233, %dma_start3A_246] : memref<16x320x128xi32, #tpu.memory_space<hbm>> -> memref<1x8x128xi32, #tpu.memory_space<hbm>>
      %dma_start3A_248 = tpu.memref_squeeze %dma_start3A_247 : memref<1x8x128xi32, #tpu.memory_space<hbm>> -> memref<8x128xi32, #tpu.memory_space<hbm>>
      tpu.enqueue_dma source(%dma_start3A_248 : memref<8x128xi32, #tpu.memory_space<hbm>>) target(%dma_start3A_245 : memref<8x128xi32, #tpu.memory_space<vmem>>) target_semaphore(%arg17 : memref<!tpu.dma_semaphore, #tpu.memory_space<semaphore_mem>>)
      %mul3A_249 = arith.constant 8 : i32
      %mul3A_250 = arith.muli %mul3A_212, %mul3A_249 : i32
      %dma_wait3A = arith.constant 0 : i32
      %dma_wait3A_251 = arith.constant 0 : i32
      %dma_wait3A_252 = arith.constant 0 : i32
      %dma_wait3A_253 = tpu.memref_slice %arg6[%dma_wait3A, %dma_wait3A_251, %dma_wait3A_252] : memref<2x8x128xi32, #tpu.memory_space<vmem>> -> memref<1x8x128xi32, #tpu.memory_space<vmem>>
      %dma_wait3A_254 = tpu.memref_squeeze %dma_wait3A_253 : memref<1x8x128xi32, #tpu.memory_space<vmem>> -> memref<8x128xi32, #tpu.memory_space<vmem>>
      %dma_wait3A_255 = arith.constant 0 : i32
      %dma_wait3A_256 = tpu.memref_slice %arg3[%add3A, %mul3A_250, %dma_wait3A_255] : memref<16x320x128xi32, #tpu.memory_space<hbm>> -> memref<1x8x128xi32, #tpu.memory_space<hbm>>
      %dma_wait3A_257 = tpu.memref_squeeze %dma_wait3A_256 : memref<1x8x128xi32, #tpu.memory_space<hbm>> -> memref<8x128xi32, #tpu.memory_space<hbm>>
      %dma_wait3A_258 = arith.constant 0 : i32
      %dma_wait3A_259 = arith.constant 0 : i32
      %dma_wait3A_260 = tpu.memref_slice %arg6[%dma_wait3A, %dma_wait3A_258, %dma_wait3A_259] : memref<2x8x128xi32, #tpu.memory_space<vmem>> -> memref<1x8x128xi32, #tpu.memory_space<vmem>>
      %dma_wait3A_261 = tpu.memref_squeeze %dma_wait3A_260 : memref<1x8x128xi32, #tpu.memory_space<vmem>> -> memref<8x128xi32, #tpu.memory_space<vmem>>
      %dma_wait3A_262 = arith.constant 0 : i32
      %dma_wait3A_263 = tpu.memref_slice %arg3[%add3A, %mul3A_250, %dma_wait3A_262] : memref<16x320x128xi32, #tpu.memory_space<hbm>> -> memref<1x8x128xi32, #tpu.memory_space<hbm>>
      %dma_wait3A_264 = tpu.memref_squeeze %dma_wait3A_263 : memref<1x8x128xi32, #tpu.memory_space<hbm>> -> memref<8x128xi32, #tpu.memory_space<hbm>>
      tpu.wait_dma2 semaphore(%arg14 : memref<!tpu.dma_semaphore, #tpu.memory_space<semaphore_mem>>) src(%dma_wait3A_264 : memref<8x128xi32, #tpu.memory_space<hbm>>) dst(%dma_wait3A_261 : memref<8x128xi32, #tpu.memory_space<vmem>>)
      %mul3A_265 = arith.constant 8 : i32
      %mul3A_266 = arith.muli %mul3A_212, %mul3A_265 : i32
      %dma_wait3A_267 = arith.constant 0 : i32
      %dma_wait3A_268 = arith.constant 0 : i32
      %dma_wait3A_269 = arith.constant 0 : i32
      %dma_wait3A_270 = tpu.memref_slice %arg7[%dma_wait3A_267, %dma_wait3A_268, %dma_wait3A_269] : memref<2x8x128xi32, #tpu.memory_space<vmem>> -> memref<1x8x128xi32, #tpu.memory_space<vmem>>
      %dma_wait3A_271 = tpu.memref_squeeze %dma_wait3A_270 : memref<1x8x128xi32, #tpu.memory_space<vmem>> -> memref<8x128xi32, #tpu.memory_space<vmem>>
      %dma_wait3A_272 = arith.constant 0 : i32
      %dma_wait3A_273 = tpu.memref_slice %arg4[%add3A, %mul3A_266, %dma_wait3A_272] : memref<16x320x128xi32, #tpu.memory_space<hbm>> -> memref<1x8x128xi32, #tpu.memory_space<hbm>>
      %dma_wait3A_274 = tpu.memref_squeeze %dma_wait3A_273 : memref<1x8x128xi32, #tpu.memory_space<hbm>> -> memref<8x128xi32, #tpu.memory_space<hbm>>
      %dma_wait3A_275 = arith.constant 0 : i32
      %dma_wait3A_276 = arith.constant 0 : i32
      %dma_wait3A_277 = tpu.memref_slice %arg7[%dma_wait3A_267, %dma_wait3A_275, %dma_wait3A_276] : memref<2x8x128xi32, #tpu.memory_space<vmem>> -> memref<1x8x128xi32, #tpu.memory_space<vmem>>
      %dma_wait3A_278 = tpu.memref_squeeze %dma_wait3A_277 : memref<1x8x128xi32, #tpu.memory_space<vmem>> -> memref<8x128xi32, #tpu.memory_space<vmem>>
      %dma_wait3A_279 = arith.constant 0 : i32
      %dma_wait3A_280 = tpu.memref_slice %arg4[%add3A, %mul3A_266, %dma_wait3A_279] : memref<16x320x128xi32, #tpu.memory_space<hbm>> -> memref<1x8x128xi32, #tpu.memory_space<hbm>>
      %dma_wait3A_281 = tpu.memref_squeeze %dma_wait3A_280 : memref<1x8x128xi32, #tpu.memory_space<hbm>> -> memref<8x128xi32, #tpu.memory_space<hbm>>
      tpu.wait_dma2 semaphore(%arg16 : memref<!tpu.dma_semaphore, #tpu.memory_space<semaphore_mem>>) src(%dma_wait3A_281 : memref<8x128xi32, #tpu.memory_space<hbm>>) dst(%dma_wait3A_278 : memref<8x128xi32, #tpu.memory_space<vmem>>)
      %dma_start3A_282 = arith.constant 0 : i32
      %dma_start3A_283 = arith.constant 0 : i32
      %dma_start3A_284 = arith.constant 0 : i32
      %dma_start3A_285 = tpu.memref_slice %arg6[%dma_start3A_282, %dma_start3A_283, %dma_start3A_284] : memref<2x8x128xi32, #tpu.memory_space<vmem>> -> memref<1x1x128xi32, #tpu.memory_space<vmem>>
      %dma_start3A_286 = tpu.memref_squeeze %dma_start3A_285 : memref<1x1x128xi32, #tpu.memory_space<vmem>> -> memref<128xi32, #tpu.memory_space<vmem>>
      %dma_start3A_287 = arith.constant 0 : i32
      %dma_start3A_288 = arith.constant 0 : i32
      %dma_start3A_289 = tpu.memref_slice %arg2[%dma_start3A_287, %dma_start3A_288] : memref<10000x128xf32, #tpu.memory_space<hbm>> -> memref<10000x128xf32, #tpu.memory_space<hbm>>
      tpu.enqueue_indirect_dma source(%dma_start3A_289 : memref<10000x128xf32, #tpu.memory_space<hbm>>) target(%arg8 : memref<128x128xf32, #tpu.memory_space<vmem>>) offsets(%dma_start3A_286 : memref<128xi32, #tpu.memory_space<vmem>>) semaphore(%arg12 : memref<!tpu.dma_semaphore, #tpu.memory_space<semaphore_mem>>)
      %dma_start3A_290 = arith.constant 0 : i32
      %dma_start3A_291 = arith.constant 1 : i32
      %dma_start3A_292 = arith.constant 0 : i32
      %dma_start3A_293 = tpu.memref_slice %arg6[%dma_start3A_290, %dma_start3A_291, %dma_start3A_292] : memref<2x8x128xi32, #tpu.memory_space<vmem>> -> memref<1x1x128xi32, #tpu.memory_space<vmem>>
      %dma_start3A_294 = tpu.memref_squeeze %dma_start3A_293 : memref<1x1x128xi32, #tpu.memory_space<vmem>> -> memref<128xi32, #tpu.memory_space<vmem>>
      %dma_start3A_295 = arith.constant 0 : i32
      %dma_start3A_296 = arith.constant 0 : i32
      %dma_start3A_297 = tpu.memref_slice %arg2[%dma_start3A_295, %dma_start3A_296] : memref<10000x128xf32, #tpu.memory_space<hbm>> -> memref<10000x128xf32, #tpu.memory_space<hbm>>
      tpu.enqueue_indirect_dma source(%dma_start3A_297 : memref<10000x128xf32, #tpu.memory_space<hbm>>) target(%arg9 : memref<128x128xf32, #tpu.memory_space<vmem>>) offsets(%dma_start3A_294 : memref<128xi32, #tpu.memory_space<vmem>>) semaphore(%arg13 : memref<!tpu.dma_semaphore, #tpu.memory_space<semaphore_mem>>)
      %dma_wait3A_298 = arith.constant 0 : i32
      %dma_wait3A_299 = arith.constant 0 : i32
      %dma_wait3A_300 = arith.constant 0 : i32
      %dma_wait3A_301 = tpu.memref_slice %arg6[%dma_wait3A_298, %dma_wait3A_299, %dma_wait3A_300] : memref<2x8x128xi32, #tpu.memory_space<vmem>> -> memref<1x1x128xi32, #tpu.memory_space<vmem>>
      %dma_wait3A_302 = tpu.memref_squeeze %dma_wait3A_301 : memref<1x1x128xi32, #tpu.memory_space<vmem>> -> memref<128xi32, #tpu.memory_space<vmem>>
      %dma_wait3A_303 = arith.constant 0 : i32
      %dma_wait3A_304 = arith.constant 0 : i32
      %dma_wait3A_305 = tpu.memref_slice %arg2[%dma_wait3A_303, %dma_wait3A_304] : memref<10000x128xf32, #tpu.memory_space<hbm>> -> memref<10000x128xf32, #tpu.memory_space<hbm>>
      tpu.wait_indirect_dma semaphore(%arg12 : memref<!tpu.dma_semaphore, #tpu.memory_space<semaphore_mem>>) src(%dma_wait3A_305 : memref<10000x128xf32, #tpu.memory_space<hbm>>) dst(%arg8 : memref<128x128xf32, #tpu.memory_space<vmem>>)
      %dma_start3A_306 = arith.constant 0 : i32
      %dma_start3A_307 = arith.constant 2 : i32
      %dma_start3A_308 = arith.constant 0 : i32
      %dma_start3A_309 = tpu.memref_slice %arg6[%dma_start3A_306, %dma_start3A_307, %dma_start3A_308] : memref<2x8x128xi32, #tpu.memory_space<vmem>> -> memref<1x1x128xi32, #tpu.memory_space<vmem>>
      %dma_start3A_310 = tpu.memref_squeeze %dma_start3A_309 : memref<1x1x128xi32, #tpu.memory_space<vmem>> -> memref<128xi32, #tpu.memory_space<vmem>>
      %dma_start3A_311 = arith.constant 0 : i32
      %dma_start3A_312 = arith.constant 0 : i32
      %dma_start3A_313 = tpu.memref_slice %arg2[%dma_start3A_311, %dma_start3A_312] : memref<10000x128xf32, #tpu.memory_space<hbm>> -> memref<10000x128xf32, #tpu.memory_space<hbm>>
      tpu.enqueue_indirect_dma source(%dma_start3A_313 : memref<10000x128xf32, #tpu.memory_space<hbm>>) target(%arg8 : memref<128x128xf32, #tpu.memory_space<vmem>>) offsets(%dma_start3A_310 : memref<128xi32, #tpu.memory_space<vmem>>) semaphore(%arg12 : memref<!tpu.dma_semaphore, #tpu.memory_space<semaphore_mem>>)
      %dma_wait3A_314 = arith.constant 0 : i32
      %dma_wait3A_315 = arith.constant 1 : i32
      %dma_wait3A_316 = arith.constant 0 : i32
      %dma_wait3A_317 = tpu.memref_slice %arg6[%dma_wait3A_314, %dma_wait3A_315, %dma_wait3A_316] : memref<2x8x128xi32, #tpu.memory_space<vmem>> -> memref<1x1x128xi32, #tpu.memory_space<vmem>>
      %dma_wait3A_318 = tpu.memref_squeeze %dma_wait3A_317 : memref<1x1x128xi32, #tpu.memory_space<vmem>> -> memref<128xi32, #tpu.memory_space<vmem>>
      %dma_wait3A_319 = arith.constant 0 : i32
      %dma_wait3A_320 = arith.constant 0 : i32
      %dma_wait3A_321 = tpu.memref_slice %arg2[%dma_wait3A_319, %dma_wait3A_320] : memref<10000x128xf32, #tpu.memory_space<hbm>> -> memref<10000x128xf32, #tpu.memory_space<hbm>>
      tpu.wait_indirect_dma semaphore(%arg13 : memref<!tpu.dma_semaphore, #tpu.memory_space<semaphore_mem>>) src(%dma_wait3A_321 : memref<10000x128xf32, #tpu.memory_space<hbm>>) dst(%arg9 : memref<128x128xf32, #tpu.memory_space<vmem>>)
      %dma_start3A_322 = arith.constant 0 : i32
      %dma_start3A_323 = arith.constant 3 : i32
      %dma_start3A_324 = arith.constant 0 : i32
      %dma_start3A_325 = tpu.memref_slice %arg6[%dma_start3A_322, %dma_start3A_323, %dma_start3A_324] : memref<2x8x128xi32, #tpu.memory_space<vmem>> -> memref<1x1x128xi32, #tpu.memory_space<vmem>>
      %dma_start3A_326 = tpu.memref_squeeze %dma_start3A_325 : memref<1x1x128xi32, #tpu.memory_space<vmem>> -> memref<128xi32, #tpu.memory_space<vmem>>
      %dma_start3A_327 = arith.constant 0 : i32
      %dma_start3A_328 = arith.constant 0 : i32
      %dma_start3A_329 = tpu.memref_slice %arg2[%dma_start3A_327, %dma_start3A_328] : memref<10000x128xf32, #tpu.memory_space<hbm>> -> memref<10000x128xf32, #tpu.memory_space<hbm>>
      tpu.enqueue_indirect_dma source(%dma_start3A_329 : memref<10000x128xf32, #tpu.memory_space<hbm>>) target(%arg9 : memref<128x128xf32, #tpu.memory_space<vmem>>) offsets(%dma_start3A_326 : memref<128xi32, #tpu.memory_space<vmem>>) semaphore(%arg13 : memref<!tpu.dma_semaphore, #tpu.memory_space<semaphore_mem>>)
      %dma_wait3A_330 = arith.constant 0 : i32
      %dma_wait3A_331 = arith.constant 2 : i32
      %dma_wait3A_332 = arith.constant 0 : i32
      %dma_wait3A_333 = tpu.memref_slice %arg6[%dma_wait3A_330, %dma_wait3A_331, %dma_wait3A_332] : memref<2x8x128xi32, #tpu.memory_space<vmem>> -> memref<1x1x128xi32, #tpu.memory_space<vmem>>
      %dma_wait3A_334 = tpu.memref_squeeze %dma_wait3A_333 : memref<1x1x128xi32, #tpu.memory_space<vmem>> -> memref<128xi32, #tpu.memory_space<vmem>>
      %dma_wait3A_335 = arith.constant 0 : i32
      %dma_wait3A_336 = arith.constant 0 : i32
      %dma_wait3A_337 = tpu.memref_slice %arg2[%dma_wait3A_335, %dma_wait3A_336] : memref<10000x128xf32, #tpu.memory_space<hbm>> -> memref<10000x128xf32, #tpu.memory_space<hbm>>
      tpu.wait_indirect_dma semaphore(%arg12 : memref<!tpu.dma_semaphore, #tpu.memory_space<semaphore_mem>>) src(%dma_wait3A_337 : memref<10000x128xf32, #tpu.memory_space<hbm>>) dst(%arg8 : memref<128x128xf32, #tpu.memory_space<vmem>>)
      %dma_start3A_338 = arith.constant 0 : i32
      %dma_start3A_339 = arith.constant 4 : i32
      %dma_start3A_340 = arith.constant 0 : i32
      %dma_start3A_341 = tpu.memref_slice %arg6[%dma_start3A_338, %dma_start3A_339, %dma_start3A_340] : memref<2x8x128xi32, #tpu.memory_space<vmem>> -> memref<1x1x128xi32, #tpu.memory_space<vmem>>
      %dma_start3A_342 = tpu.memref_squeeze %dma_start3A_341 : memref<1x1x128xi32, #tpu.memory_space<vmem>> -> memref<128xi32, #tpu.memory_space<vmem>>
      %dma_start3A_343 = arith.constant 0 : i32
      %dma_start3A_344 = arith.constant 0 : i32
      %dma_start3A_345 = tpu.memref_slice %arg2[%dma_start3A_343, %dma_start3A_344] : memref<10000x128xf32, #tpu.memory_space<hbm>> -> memref<10000x128xf32, #tpu.memory_space<hbm>>
      tpu.enqueue_indirect_dma source(%dma_start3A_345 : memref<10000x128xf32, #tpu.memory_space<hbm>>) target(%arg8 : memref<128x128xf32, #tpu.memory_space<vmem>>) offsets(%dma_start3A_342 : memref<128xi32, #tpu.memory_space<vmem>>) semaphore(%arg12 : memref<!tpu.dma_semaphore, #tpu.memory_space<semaphore_mem>>)
      %dma_wait3A_346 = arith.constant 0 : i32
      %dma_wait3A_347 = arith.constant 3 : i32
      %dma_wait3A_348 = arith.constant 0 : i32
      %dma_wait3A_349 = tpu.memref_slice %arg6[%dma_wait3A_346, %dma_wait3A_347, %dma_wait3A_348] : memref<2x8x128xi32, #tpu.memory_space<vmem>> -> memref<1x1x128xi32, #tpu.memory_space<vmem>>
      %dma_wait3A_350 = tpu.memref_squeeze %dma_wait3A_349 : memref<1x1x128xi32, #tpu.memory_space<vmem>> -> memref<128xi32, #tpu.memory_space<vmem>>
      %dma_wait3A_351 = arith.constant 0 : i32
      %dma_wait3A_352 = arith.constant 0 : i32
      %dma_wait3A_353 = tpu.memref_slice %arg2[%dma_wait3A_351, %dma_wait3A_352] : memref<10000x128xf32, #tpu.memory_space<hbm>> -> memref<10000x128xf32, #tpu.memory_space<hbm>>
      tpu.wait_indirect_dma semaphore(%arg13 : memref<!tpu.dma_semaphore, #tpu.memory_space<semaphore_mem>>) src(%dma_wait3A_353 : memref<10000x128xf32, #tpu.memory_space<hbm>>) dst(%arg9 : memref<128x128xf32, #tpu.memory_space<vmem>>)
      %dma_start3A_354 = arith.constant 0 : i32
      %dma_start3A_355 = arith.constant 5 : i32
      %dma_start3A_356 = arith.constant 0 : i32
      %dma_start3A_357 = tpu.memref_slice %arg6[%dma_start3A_354, %dma_start3A_355, %dma_start3A_356] : memref<2x8x128xi32, #tpu.memory_space<vmem>> -> memref<1x1x128xi32, #tpu.memory_space<vmem>>
      %dma_start3A_358 = tpu.memref_squeeze %dma_start3A_357 : memref<1x1x128xi32, #tpu.memory_space<vmem>> -> memref<128xi32, #tpu.memory_space<vmem>>
      %dma_start3A_359 = arith.constant 0 : i32
      %dma_start3A_360 = arith.constant 0 : i32
      %dma_start3A_361 = tpu.memref_slice %arg2[%dma_start3A_359, %dma_start3A_360] : memref<10000x128xf32, #tpu.memory_space<hbm>> -> memref<10000x128xf32, #tpu.memory_space<hbm>>
      tpu.enqueue_indirect_dma source(%dma_start3A_361 : memref<10000x128xf32, #tpu.memory_space<hbm>>) target(%arg9 : memref<128x128xf32, #tpu.memory_space<vmem>>) offsets(%dma_start3A_358 : memref<128xi32, #tpu.memory_space<vmem>>) semaphore(%arg13 : memref<!tpu.dma_semaphore, #tpu.memory_space<semaphore_mem>>)
      %dma_wait3A_362 = arith.constant 0 : i32
      %dma_wait3A_363 = arith.constant 4 : i32
      %dma_wait3A_364 = arith.constant 0 : i32
      %dma_wait3A_365 = tpu.memref_slice %arg6[%dma_wait3A_362, %dma_wait3A_363, %dma_wait3A_364] : memref<2x8x128xi32, #tpu.memory_space<vmem>> -> memref<1x1x128xi32, #tpu.memory_space<vmem>>
      %dma_wait3A_366 = tpu.memref_squeeze %dma_wait3A_365 : memref<1x1x128xi32, #tpu.memory_space<vmem>> -> memref<128xi32, #tpu.memory_space<vmem>>
      %dma_wait3A_367 = arith.constant 0 : i32
      %dma_wait3A_368 = arith.constant 0 : i32
      %dma_wait3A_369 = tpu.memref_slice %arg2[%dma_wait3A_367, %dma_wait3A_368] : memref<10000x128xf32, #tpu.memory_space<hbm>> -> memref<10000x128xf32, #tpu.memory_space<hbm>>
      tpu.wait_indirect_dma semaphore(%arg12 : memref<!tpu.dma_semaphore, #tpu.memory_space<semaphore_mem>>) src(%dma_wait3A_369 : memref<10000x128xf32, #tpu.memory_space<hbm>>) dst(%arg8 : memref<128x128xf32, #tpu.memory_space<vmem>>)
      %dma_start3A_370 = arith.constant 0 : i32
      %dma_start3A_371 = arith.constant 6 : i32
      %dma_start3A_372 = arith.constant 0 : i32
      %dma_start3A_373 = tpu.memref_slice %arg6[%dma_start3A_370, %dma_start3A_371, %dma_start3A_372] : memref<2x8x128xi32, #tpu.memory_space<vmem>> -> memref<1x1x128xi32, #tpu.memory_space<vmem>>
      %dma_start3A_374 = tpu.memref_squeeze %dma_start3A_373 : memref<1x1x128xi32, #tpu.memory_space<vmem>> -> memref<128xi32, #tpu.memory_space<vmem>>
      %dma_start3A_375 = arith.constant 0 : i32
      %dma_start3A_376 = arith.constant 0 : i32
      %dma_start3A_377 = tpu.memref_slice %arg2[%dma_start3A_375, %dma_start3A_376] : memref<10000x128xf32, #tpu.memory_space<hbm>> -> memref<10000x128xf32, #tpu.memory_space<hbm>>
      tpu.enqueue_indirect_dma source(%dma_start3A_377 : memref<10000x128xf32, #tpu.memory_space<hbm>>) target(%arg8 : memref<128x128xf32, #tpu.memory_space<vmem>>) offsets(%dma_start3A_374 : memref<128xi32, #tpu.memory_space<vmem>>) semaphore(%arg12 : memref<!tpu.dma_semaphore, #tpu.memory_space<semaphore_mem>>)
      %dma_wait3A_378 = arith.constant 0 : i32
      %dma_wait3A_379 = arith.constant 5 : i32
      %dma_wait3A_380 = arith.constant 0 : i32
      %dma_wait3A_381 = tpu.memref_slice %arg6[%dma_wait3A_378, %dma_wait3A_379, %dma_wait3A_380] : memref<2x8x128xi32, #tpu.memory_space<vmem>> -> memref<1x1x128xi32, #tpu.memory_space<vmem>>
      %dma_wait3A_382 = tpu.memref_squeeze %dma_wait3A_381 : memref<1x1x128xi32, #tpu.memory_space<vmem>> -> memref<128xi32, #tpu.memory_space<vmem>>
      %dma_wait3A_383 = arith.constant 0 : i32
      %dma_wait3A_384 = arith.constant 0 : i32
      %dma_wait3A_385 = tpu.memref_slice %arg2[%dma_wait3A_383, %dma_wait3A_384] : memref<10000x128xf32, #tpu.memory_space<hbm>> -> memref<10000x128xf32, #tpu.memory_space<hbm>>
      tpu.wait_indirect_dma semaphore(%arg13 : memref<!tpu.dma_semaphore, #tpu.memory_space<semaphore_mem>>) src(%dma_wait3A_385 : memref<10000x128xf32, #tpu.memory_space<hbm>>) dst(%arg9 : memref<128x128xf32, #tpu.memory_space<vmem>>)
      %dma_start3A_386 = arith.constant 0 : i32
      %dma_start3A_387 = arith.constant 7 : i32
      %dma_start3A_388 = arith.constant 0 : i32
      %dma_start3A_389 = tpu.memref_slice %arg6[%dma_start3A_386, %dma_start3A_387, %dma_start3A_388] : memref<2x8x128xi32, #tpu.memory_space<vmem>> -> memref<1x1x128xi32, #tpu.memory_space<vmem>>
      %dma_start3A_390 = tpu.memref_squeeze %dma_start3A_389 : memref<1x1x128xi32, #tpu.memory_space<vmem>> -> memref<128xi32, #tpu.memory_space<vmem>>
      %dma_start3A_391 = arith.constant 0 : i32
      %dma_start3A_392 = arith.constant 0 : i32
      %dma_start3A_393 = tpu.memref_slice %arg2[%dma_start3A_391, %dma_start3A_392] : memref<10000x128xf32, #tpu.memory_space<hbm>> -> memref<10000x128xf32, #tpu.memory_space<hbm>>
      tpu.enqueue_indirect_dma source(%dma_start3A_393 : memref<10000x128xf32, #tpu.memory_space<hbm>>) target(%arg9 : memref<128x128xf32, #tpu.memory_space<vmem>>) offsets(%dma_start3A_390 : memref<128xi32, #tpu.memory_space<vmem>>) semaphore(%arg13 : memref<!tpu.dma_semaphore, #tpu.memory_space<semaphore_mem>>)
      %dma_wait3A_394 = arith.constant 0 : i32
      %dma_wait3A_395 = arith.constant 6 : i32
      %dma_wait3A_396 = arith.constant 0 : i32
      %dma_wait3A_397 = tpu.memref_slice %arg6[%dma_wait3A_394, %dma_wait3A_395, %dma_wait3A_396] : memref<2x8x128xi32, #tpu.memory_space<vmem>> -> memref<1x1x128xi32, #tpu.memory_space<vmem>>
      %dma_wait3A_398 = tpu.memref_squeeze %dma_wait3A_397 : memref<1x1x128xi32, #tpu.memory_space<vmem>> -> memref<128xi32, #tpu.memory_space<vmem>>
      %dma_wait3A_399 = arith.constant 0 : i32
      %dma_wait3A_400 = arith.constant 0 : i32
      %dma_wait3A_401 = tpu.memref_slice %arg2[%dma_wait3A_399, %dma_wait3A_400] : memref<10000x128xf32, #tpu.memory_space<hbm>> -> memref<10000x128xf32, #tpu.memory_space<hbm>>
      tpu.wait_indirect_dma semaphore(%arg12 : memref<!tpu.dma_semaphore, #tpu.memory_space<semaphore_mem>>) src(%dma_wait3A_401 : memref<10000x128xf32, #tpu.memory_space<hbm>>) dst(%arg8 : memref<128x128xf32, #tpu.memory_space<vmem>>)
      %dma_wait3A_402 = arith.constant 0 : i32
      %dma_wait3A_403 = arith.constant 7 : i32
      %dma_wait3A_404 = arith.constant 0 : i32
      %dma_wait3A_405 = tpu.memref_slice %arg6[%dma_wait3A_402, %dma_wait3A_403, %dma_wait3A_404] : memref<2x8x128xi32, #tpu.memory_space<vmem>> -> memref<1x1x128xi32, #tpu.memory_space<vmem>>
      %dma_wait3A_406 = tpu.memref_squeeze %dma_wait3A_405 : memref<1x1x128xi32, #tpu.memory_space<vmem>> -> memref<128xi32, #tpu.memory_space<vmem>>
      %dma_wait3A_407 = arith.constant 0 : i32
      %dma_wait3A_408 = arith.constant 0 : i32
      %dma_wait3A_409 = tpu.memref_slice %arg2[%dma_wait3A_407, %dma_wait3A_408] : memref<10000x128xf32, #tpu.memory_space<hbm>> -> memref<10000x128xf32, #tpu.memory_space<hbm>>
      tpu.wait_indirect_dma semaphore(%arg13 : memref<!tpu.dma_semaphore, #tpu.memory_space<semaphore_mem>>) src(%dma_wait3A_409 : memref<10000x128xf32, #tpu.memory_space<hbm>>) dst(%arg9 : memref<128x128xf32, #tpu.memory_space<vmem>>)
      %add3A_410 = arith.constant 2 : i32
      %add3A_411 = arith.addi %mul3A_212, %add3A_410 : i32
      %lt3A = arith.constant 40 : i32
      %lt3A_412 = arith.cmpi slt, %add3A_411, %lt3A : i32
      %convert_element_type3A = arith.extui %lt3A_412 : i1 to i32
      %cond3A = arith.constant 0 : i32
      %cond3A_413 = arith.cmpi ne, %convert_element_type3A, %cond3A : i32
      scf.if %cond3A_413 {
        %add3A_578 = arith.constant 2 : i32
        %add3A_579 = arith.addi %mul3A_212, %add3A_578 : i32
        %mul3A_580 = arith.constant 8 : i32
        %mul3A_581 = arith.muli %add3A_579, %mul3A_580 : i32
        %dma_start3A_582 = arith.constant 0 : i32
        %dma_start3A_583 = arith.constant 0 : i32
        %dma_start3A_584 = arith.constant 0 : i32
        %dma_start3A_585 = tpu.memref_slice %arg6[%dma_start3A_582, %dma_start3A_583, %dma_start3A_584] : memref<2x8x128xi32, #tpu.memory_space<vmem>> -> memref<1x8x128xi32, #tpu.memory_space<vmem>>
        %dma_start3A_586 = tpu.memref_squeeze %dma_start3A_585 : memref<1x8x128xi32, #tpu.memory_space<vmem>> -> memref<8x128xi32, #tpu.memory_space<vmem>>
        %dma_start3A_587 = arith.constant 0 : i32
        %dma_start3A_588 = tpu.memref_slice %arg3[%add3A, %mul3A_581, %dma_start3A_587] : memref<16x320x128xi32, #tpu.memory_space<hbm>> -> memref<1x8x128xi32, #tpu.memory_space<hbm>>
        %dma_start3A_589 = tpu.memref_squeeze %dma_start3A_588 : memref<1x8x128xi32, #tpu.memory_space<hbm>> -> memref<8x128xi32, #tpu.memory_space<hbm>>
        %dma_start3A_590 = arith.constant 0 : i32
        %dma_start3A_591 = arith.constant 0 : i32
        %dma_start3A_592 = tpu.memref_slice %arg6[%dma_start3A_582, %dma_start3A_590, %dma_start3A_591] : memref<2x8x128xi32, #tpu.memory_space<vmem>> -> memref<1x8x128xi32, #tpu.memory_space<vmem>>
        %dma_start3A_593 = tpu.memref_squeeze %dma_start3A_592 : memref<1x8x128xi32, #tpu.memory_space<vmem>> -> memref<8x128xi32, #tpu.memory_space<vmem>>
        %dma_start3A_594 = arith.constant 0 : i32
        %dma_start3A_595 = tpu.memref_slice %arg3[%add3A, %mul3A_581, %dma_start3A_594] : memref<16x320x128xi32, #tpu.memory_space<hbm>> -> memref<1x8x128xi32, #tpu.memory_space<hbm>>
        %dma_start3A_596 = tpu.memref_squeeze %dma_start3A_595 : memref<1x8x128xi32, #tpu.memory_space<hbm>> -> memref<8x128xi32, #tpu.memory_space<hbm>>
        tpu.enqueue_dma source(%dma_start3A_596 : memref<8x128xi32, #tpu.memory_space<hbm>>) target(%dma_start3A_593 : memref<8x128xi32, #tpu.memory_space<vmem>>) target_semaphore(%arg14 : memref<!tpu.dma_semaphore, #tpu.memory_space<semaphore_mem>>)
        %mul3A_597 = arith.constant 8 : i32
        %mul3A_598 = arith.muli %add3A_579, %mul3A_597 : i32
        %dma_start3A_599 = arith.constant 0 : i32
        %dma_start3A_600 = arith.constant 0 : i32
        %dma_start3A_601 = arith.constant 0 : i32
        %dma_start3A_602 = tpu.memref_slice %arg7[%dma_start3A_599, %dma_start3A_600, %dma_start3A_601] : memref<2x8x128xi32, #tpu.memory_space<vmem>> -> memref<1x8x128xi32, #tpu.memory_space<vmem>>
        %dma_start3A_603 = tpu.memref_squeeze %dma_start3A_602 : memref<1x8x128xi32, #tpu.memory_space<vmem>> -> memref<8x128xi32, #tpu.memory_space<vmem>>
        %dma_start3A_604 = arith.constant 0 : i32
        %dma_start3A_605 = tpu.memref_slice %arg4[%add3A, %mul3A_598, %dma_start3A_604] : memref<16x320x128xi32, #tpu.memory_space<hbm>> -> memref<1x8x128xi32, #tpu.memory_space<hbm>>
        %dma_start3A_606 = tpu.memref_squeeze %dma_start3A_605 : memref<1x8x128xi32, #tpu.memory_space<hbm>> -> memref<8x128xi32, #tpu.memory_space<hbm>>
        %dma_start3A_607 = arith.constant 0 : i32
        %dma_start3A_608 = arith.constant 0 : i32
        %dma_start3A_609 = tpu.memref_slice %arg7[%dma_start3A_599, %dma_start3A_607, %dma_start3A_608] : memref<2x8x128xi32, #tpu.memory_space<vmem>> -> memref<1x8x128xi32, #tpu.memory_space<vmem>>
        %dma_start3A_610 = tpu.memref_squeeze %dma_start3A_609 : memref<1x8x128xi32, #tpu.memory_space<vmem>> -> memref<8x128xi32, #tpu.memory_space<vmem>>
        %dma_start3A_611 = arith.constant 0 : i32
        %dma_start3A_612 = tpu.memref_slice %arg4[%add3A, %mul3A_598, %dma_start3A_611] : memref<16x320x128xi32, #tpu.memory_space<hbm>> -> memref<1x8x128xi32, #tpu.memory_space<hbm>>
        %dma_start3A_613 = tpu.memref_squeeze %dma_start3A_612 : memref<1x8x128xi32, #tpu.memory_space<hbm>> -> memref<8x128xi32, #tpu.memory_space<hbm>>
        tpu.enqueue_dma source(%dma_start3A_613 : memref<8x128xi32, #tpu.memory_space<hbm>>) target(%dma_start3A_610 : memref<8x128xi32, #tpu.memory_space<vmem>>) target_semaphore(%arg16 : memref<!tpu.dma_semaphore, #tpu.memory_space<semaphore_mem>>)
      } else {
      }
      %add3A_414 = arith.constant 1 : i32
      %add3A_415 = arith.addi %mul3A_212, %add3A_414 : i32
      %mul3A_416 = arith.constant 8 : i32
      %mul3A_417 = arith.muli %add3A_415, %mul3A_416 : i32
      %dma_wait3A_418 = arith.constant 1 : i32
      %dma_wait3A_419 = arith.constant 0 : i32
      %dma_wait3A_420 = arith.constant 0 : i32
      %dma_wait3A_421 = tpu.memref_slice %arg6[%dma_wait3A_418, %dma_wait3A_419, %dma_wait3A_420] : memref<2x8x128xi32, #tpu.memory_space<vmem>> -> memref<1x8x128xi32, #tpu.memory_space<vmem>>
      %dma_wait3A_422 = tpu.memref_squeeze %dma_wait3A_421 : memref<1x8x128xi32, #tpu.memory_space<vmem>> -> memref<8x128xi32, #tpu.memory_space<vmem>>
      %dma_wait3A_423 = arith.constant 0 : i32
      %dma_wait3A_424 = tpu.memref_slice %arg3[%add3A, %mul3A_417, %dma_wait3A_423] : memref<16x320x128xi32, #tpu.memory_space<hbm>> -> memref<1x8x128xi32, #tpu.memory_space<hbm>>
      %dma_wait3A_425 = tpu.memref_squeeze %dma_wait3A_424 : memref<1x8x128xi32, #tpu.memory_space<hbm>> -> memref<8x128xi32, #tpu.memory_space<hbm>>
      %dma_wait3A_426 = arith.constant 0 : i32
      %dma_wait3A_427 = arith.constant 0 : i32
      %dma_wait3A_428 = tpu.memref_slice %arg6[%dma_wait3A_418, %dma_wait3A_426, %dma_wait3A_427] : memref<2x8x128xi32, #tpu.memory_space<vmem>> -> memref<1x8x128xi32, #tpu.memory_space<vmem>>
      %dma_wait3A_429 = tpu.memref_squeeze %dma_wait3A_428 : memref<1x8x128xi32, #tpu.memory_space<vmem>> -> memref<8x128xi32, #tpu.memory_space<vmem>>
      %dma_wait3A_430 = arith.constant 0 : i32
      %dma_wait3A_431 = tpu.memref_slice %arg3[%add3A, %mul3A_417, %dma_wait3A_430] : memref<16x320x128xi32, #tpu.memory_space<hbm>> -> memref<1x8x128xi32, #tpu.memory_space<hbm>>
      %dma_wait3A_432 = tpu.memref_squeeze %dma_wait3A_431 : memref<1x8x128xi32, #tpu.memory_space<hbm>> -> memref<8x128xi32, #tpu.memory_space<hbm>>
      tpu.wait_dma2 semaphore(%arg15 : memref<!tpu.dma_semaphore, #tpu.memory_space<semaphore_mem>>) src(%dma_wait3A_432 : memref<8x128xi32, #tpu.memory_space<hbm>>) dst(%dma_wait3A_429 : memref<8x128xi32, #tpu.memory_space<vmem>>)
      %mul3A_433 = arith.constant 8 : i32
      %mul3A_434 = arith.muli %add3A_415, %mul3A_433 : i32
      %dma_wait3A_435 = arith.constant 1 : i32
      %dma_wait3A_436 = arith.constant 0 : i32
      %dma_wait3A_437 = arith.constant 0 : i32
      %dma_wait3A_438 = tpu.memref_slice %arg7[%dma_wait3A_435, %dma_wait3A_436, %dma_wait3A_437] : memref<2x8x128xi32, #tpu.memory_space<vmem>> -> memref<1x8x128xi32, #tpu.memory_space<vmem>>
      %dma_wait3A_439 = tpu.memref_squeeze %dma_wait3A_438 : memref<1x8x128xi32, #tpu.memory_space<vmem>> -> memref<8x128xi32, #tpu.memory_space<vmem>>
      %dma_wait3A_440 = arith.constant 0 : i32
      %dma_wait3A_441 = tpu.memref_slice %arg4[%add3A, %mul3A_434, %dma_wait3A_440] : memref<16x320x128xi32, #tpu.memory_space<hbm>> -> memref<1x8x128xi32, #tpu.memory_space<hbm>>
      %dma_wait3A_442 = tpu.memref_squeeze %dma_wait3A_441 : memref<1x8x128xi32, #tpu.memory_space<hbm>> -> memref<8x128xi32, #tpu.memory_space<hbm>>
      %dma_wait3A_443 = arith.constant 0 : i32
      %dma_wait3A_444 = arith.constant 0 : i32
      %dma_wait3A_445 = tpu.memref_slice %arg7[%dma_wait3A_435, %dma_wait3A_443, %dma_wait3A_444] : memref<2x8x128xi32, #tpu.memory_space<vmem>> -> memref<1x8x128xi32, #tpu.memory_space<vmem>>
      %dma_wait3A_446 = tpu.memref_squeeze %dma_wait3A_445 : memref<1x8x128xi32, #tpu.memory_space<vmem>> -> memref<8x128xi32, #tpu.memory_space<vmem>>
      %dma_wait3A_447 = arith.constant 0 : i32
      %dma_wait3A_448 = tpu.memref_slice %arg4[%add3A, %mul3A_434, %dma_wait3A_447] : memref<16x320x128xi32, #tpu.memory_space<hbm>> -> memref<1x8x128xi32, #tpu.memory_space<hbm>>
      %dma_wait3A_449 = tpu.memref_squeeze %dma_wait3A_448 : memref<1x8x128xi32, #tpu.memory_space<hbm>> -> memref<8x128xi32, #tpu.memory_space<hbm>>
      tpu.wait_dma2 semaphore(%arg17 : memref<!tpu.dma_semaphore, #tpu.memory_space<semaphore_mem>>) src(%dma_wait3A_449 : memref<8x128xi32, #tpu.memory_space<hbm>>) dst(%dma_wait3A_446 : memref<8x128xi32, #tpu.memory_space<vmem>>)
      %dma_start3A_450 = arith.constant 1 : i32
      %dma_start3A_451 = arith.constant 0 : i32
      %dma_start3A_452 = arith.constant 0 : i32
      %dma_start3A_453 = tpu.memref_slice %arg6[%dma_start3A_450, %dma_start3A_451, %dma_start3A_452] : memref<2x8x128xi32, #tpu.memory_space<vmem>> -> memref<1x1x128xi32, #tpu.memory_space<vmem>>
      %dma_start3A_454 = tpu.memref_squeeze %dma_start3A_453 : memref<1x1x128xi32, #tpu.memory_space<vmem>> -> memref<128xi32, #tpu.memory_space<vmem>>
      %dma_start3A_455 = arith.constant 0 : i32
      %dma_start3A_456 = arith.constant 0 : i32
      %dma_start3A_457 = tpu.memref_slice %arg2[%dma_start3A_455, %dma_start3A_456] : memref<10000x128xf32, #tpu.memory_space<hbm>> -> memref<10000x128xf32, #tpu.memory_space<hbm>>
      tpu.enqueue_indirect_dma source(%dma_start3A_457 : memref<10000x128xf32, #tpu.memory_space<hbm>>) target(%arg8 : memref<128x128xf32, #tpu.memory_space<vmem>>) offsets(%dma_start3A_454 : memref<128xi32, #tpu.memory_space<vmem>>) semaphore(%arg12 : memref<!tpu.dma_semaphore, #tpu.memory_space<semaphore_mem>>)
      %dma_start3A_458 = arith.constant 1 : i32
      %dma_start3A_459 = arith.constant 1 : i32
      %dma_start3A_460 = arith.constant 0 : i32
      %dma_start3A_461 = tpu.memref_slice %arg6[%dma_start3A_458, %dma_start3A_459, %dma_start3A_460] : memref<2x8x128xi32, #tpu.memory_space<vmem>> -> memref<1x1x128xi32, #tpu.memory_space<vmem>>
      %dma_start3A_462 = tpu.memref_squeeze %dma_start3A_461 : memref<1x1x128xi32, #tpu.memory_space<vmem>> -> memref<128xi32, #tpu.memory_space<vmem>>
      %dma_start3A_463 = arith.constant 0 : i32
      %dma_start3A_464 = arith.constant 0 : i32
      %dma_start3A_465 = tpu.memref_slice %arg2[%dma_start3A_463, %dma_start3A_464] : memref<10000x128xf32, #tpu.memory_space<hbm>> -> memref<10000x128xf32, #tpu.memory_space<hbm>>
      tpu.enqueue_indirect_dma source(%dma_start3A_465 : memref<10000x128xf32, #tpu.memory_space<hbm>>) target(%arg9 : memref<128x128xf32, #tpu.memory_space<vmem>>) offsets(%dma_start3A_462 : memref<128xi32, #tpu.memory_space<vmem>>) semaphore(%arg13 : memref<!tpu.dma_semaphore, #tpu.memory_space<semaphore_mem>>)
      %dma_wait3A_466 = arith.constant 1 : i32
      %dma_wait3A_467 = arith.constant 0 : i32
      %dma_wait3A_468 = arith.constant 0 : i32
      %dma_wait3A_469 = tpu.memref_slice %arg6[%dma_wait3A_466, %dma_wait3A_467, %dma_wait3A_468] : memref<2x8x128xi32, #tpu.memory_space<vmem>> -> memref<1x1x128xi32, #tpu.memory_space<vmem>>
      %dma_wait3A_470 = tpu.memref_squeeze %dma_wait3A_469 : memref<1x1x128xi32, #tpu.memory_space<vmem>> -> memref<128xi32, #tpu.memory_space<vmem>>
      %dma_wait3A_471 = arith.constant 0 : i32
      %dma_wait3A_472 = arith.constant 0 : i32
      %dma_wait3A_473 = tpu.memref_slice %arg2[%dma_wait3A_471, %dma_wait3A_472] : memref<10000x128xf32, #tpu.memory_space<hbm>> -> memref<10000x128xf32, #tpu.memory_space<hbm>>
      tpu.wait_indirect_dma semaphore(%arg12 : memref<!tpu.dma_semaphore, #tpu.memory_space<semaphore_mem>>) src(%dma_wait3A_473 : memref<10000x128xf32, #tpu.memory_space<hbm>>) dst(%arg8 : memref<128x128xf32, #tpu.memory_space<vmem>>)
      %dma_start3A_474 = arith.constant 1 : i32
      %dma_start3A_475 = arith.constant 2 : i32
      %dma_start3A_476 = arith.constant 0 : i32
      %dma_start3A_477 = tpu.memref_slice %arg6[%dma_start3A_474, %dma_start3A_475, %dma_start3A_476] : memref<2x8x128xi32, #tpu.memory_space<vmem>> -> memref<1x1x128xi32, #tpu.memory_space<vmem>>
      %dma_start3A_478 = tpu.memref_squeeze %dma_start3A_477 : memref<1x1x128xi32, #tpu.memory_space<vmem>> -> memref<128xi32, #tpu.memory_space<vmem>>
      %dma_start3A_479 = arith.constant 0 : i32
      %dma_start3A_480 = arith.constant 0 : i32
      %dma_start3A_481 = tpu.memref_slice %arg2[%dma_start3A_479, %dma_start3A_480] : memref<10000x128xf32, #tpu.memory_space<hbm>> -> memref<10000x128xf32, #tpu.memory_space<hbm>>
      tpu.enqueue_indirect_dma source(%dma_start3A_481 : memref<10000x128xf32, #tpu.memory_space<hbm>>) target(%arg8 : memref<128x128xf32, #tpu.memory_space<vmem>>) offsets(%dma_start3A_478 : memref<128xi32, #tpu.memory_space<vmem>>) semaphore(%arg12 : memref<!tpu.dma_semaphore, #tpu.memory_space<semaphore_mem>>)
      %dma_wait3A_482 = arith.constant 1 : i32
      %dma_wait3A_483 = arith.constant 1 : i32
      %dma_wait3A_484 = arith.constant 0 : i32
      %dma_wait3A_485 = tpu.memref_slice %arg6[%dma_wait3A_482, %dma_wait3A_483, %dma_wait3A_484] : memref<2x8x128xi32, #tpu.memory_space<vmem>> -> memref<1x1x128xi32, #tpu.memory_space<vmem>>
      %dma_wait3A_486 = tpu.memref_squeeze %dma_wait3A_485 : memref<1x1x128xi32, #tpu.memory_space<vmem>> -> memref<128xi32, #tpu.memory_space<vmem>>
      %dma_wait3A_487 = arith.constant 0 : i32
      %dma_wait3A_488 = arith.constant 0 : i32
      %dma_wait3A_489 = tpu.memref_slice %arg2[%dma_wait3A_487, %dma_wait3A_488] : memref<10000x128xf32, #tpu.memory_space<hbm>> -> memref<10000x128xf32, #tpu.memory_space<hbm>>
      tpu.wait_indirect_dma semaphore(%arg13 : memref<!tpu.dma_semaphore, #tpu.memory_space<semaphore_mem>>) src(%dma_wait3A_489 : memref<10000x128xf32, #tpu.memory_space<hbm>>) dst(%arg9 : memref<128x128xf32, #tpu.memory_space<vmem>>)
      %dma_start3A_490 = arith.constant 1 : i32
      %dma_start3A_491 = arith.constant 3 : i32
      %dma_start3A_492 = arith.constant 0 : i32
      %dma_start3A_493 = tpu.memref_slice %arg6[%dma_start3A_490, %dma_start3A_491, %dma_start3A_492] : memref<2x8x128xi32, #tpu.memory_space<vmem>> -> memref<1x1x128xi32, #tpu.memory_space<vmem>>
      %dma_start3A_494 = tpu.memref_squeeze %dma_start3A_493 : memref<1x1x128xi32, #tpu.memory_space<vmem>> -> memref<128xi32, #tpu.memory_space<vmem>>
      %dma_start3A_495 = arith.constant 0 : i32
      %dma_start3A_496 = arith.constant 0 : i32
      %dma_start3A_497 = tpu.memref_slice %arg2[%dma_start3A_495, %dma_start3A_496] : memref<10000x128xf32, #tpu.memory_space<hbm>> -> memref<10000x128xf32, #tpu.memory_space<hbm>>
      tpu.enqueue_indirect_dma source(%dma_start3A_497 : memref<10000x128xf32, #tpu.memory_space<hbm>>) target(%arg9 : memref<128x128xf32, #tpu.memory_space<vmem>>) offsets(%dma_start3A_494 : memref<128xi32, #tpu.memory_space<vmem>>) semaphore(%arg13 : memref<!tpu.dma_semaphore, #tpu.memory_space<semaphore_mem>>)
      %dma_wait3A_498 = arith.constant 1 : i32
      %dma_wait3A_499 = arith.constant 2 : i32
      %dma_wait3A_500 = arith.constant 0 : i32
      %dma_wait3A_501 = tpu.memref_slice %arg6[%dma_wait3A_498, %dma_wait3A_499, %dma_wait3A_500] : memref<2x8x128xi32, #tpu.memory_space<vmem>> -> memref<1x1x128xi32, #tpu.memory_space<vmem>>
      %dma_wait3A_502 = tpu.memref_squeeze %dma_wait3A_501 : memref<1x1x128xi32, #tpu.memory_space<vmem>> -> memref<128xi32, #tpu.memory_space<vmem>>
      %dma_wait3A_503 = arith.constant 0 : i32
      %dma_wait3A_504 = arith.constant 0 : i32
      %dma_wait3A_505 = tpu.memref_slice %arg2[%dma_wait3A_503, %dma_wait3A_504] : memref<10000x128xf32, #tpu.memory_space<hbm>> -> memref<10000x128xf32, #tpu.memory_space<hbm>>
      tpu.wait_indirect_dma semaphore(%arg12 : memref<!tpu.dma_semaphore, #tpu.memory_space<semaphore_mem>>) src(%dma_wait3A_505 : memref<10000x128xf32, #tpu.memory_space<hbm>>) dst(%arg8 : memref<128x128xf32, #tpu.memory_space<vmem>>)
      %dma_start3A_506 = arith.constant 1 : i32
      %dma_start3A_507 = arith.constant 4 : i32
      %dma_start3A_508 = arith.constant 0 : i32
      %dma_start3A_509 = tpu.memref_slice %arg6[%dma_start3A_506, %dma_start3A_507, %dma_start3A_508] : memref<2x8x128xi32, #tpu.memory_space<vmem>> -> memref<1x1x128xi32, #tpu.memory_space<vmem>>
      %dma_start3A_510 = tpu.memref_squeeze %dma_start3A_509 : memref<1x1x128xi32, #tpu.memory_space<vmem>> -> memref<128xi32, #tpu.memory_space<vmem>>
      %dma_start3A_511 = arith.constant 0 : i32
      %dma_start3A_512 = arith.constant 0 : i32
      %dma_start3A_513 = tpu.memref_slice %arg2[%dma_start3A_511, %dma_start3A_512] : memref<10000x128xf32, #tpu.memory_space<hbm>> -> memref<10000x128xf32, #tpu.memory_space<hbm>>
      tpu.enqueue_indirect_dma source(%dma_start3A_513 : memref<10000x128xf32, #tpu.memory_space<hbm>>) target(%arg8 : memref<128x128xf32, #tpu.memory_space<vmem>>) offsets(%dma_start3A_510 : memref<128xi32, #tpu.memory_space<vmem>>) semaphore(%arg12 : memref<!tpu.dma_semaphore, #tpu.memory_space<semaphore_mem>>)
      %dma_wait3A_514 = arith.constant 1 : i32
      %dma_wait3A_515 = arith.constant 3 : i32
      %dma_wait3A_516 = arith.constant 0 : i32
      %dma_wait3A_517 = tpu.memref_slice %arg6[%dma_wait3A_514, %dma_wait3A_515, %dma_wait3A_516] : memref<2x8x128xi32, #tpu.memory_space<vmem>> -> memref<1x1x128xi32, #tpu.memory_space<vmem>>
      %dma_wait3A_518 = tpu.memref_squeeze %dma_wait3A_517 : memref<1x1x128xi32, #tpu.memory_space<vmem>> -> memref<128xi32, #tpu.memory_space<vmem>>
      %dma_wait3A_519 = arith.constant 0 : i32
      %dma_wait3A_520 = arith.constant 0 : i32
      %dma_wait3A_521 = tpu.memref_slice %arg2[%dma_wait3A_519, %dma_wait3A_520] : memref<10000x128xf32, #tpu.memory_space<hbm>> -> memref<10000x128xf32, #tpu.memory_space<hbm>>
      tpu.wait_indirect_dma semaphore(%arg13 : memref<!tpu.dma_semaphore, #tpu.memory_space<semaphore_mem>>) src(%dma_wait3A_521 : memref<10000x128xf32, #tpu.memory_space<hbm>>) dst(%arg9 : memref<128x128xf32, #tpu.memory_space<vmem>>)
      %dma_start3A_522 = arith.constant 1 : i32
      %dma_start3A_523 = arith.constant 5 : i32
      %dma_start3A_524 = arith.constant 0 : i32
      %dma_start3A_525 = tpu.memref_slice %arg6[%dma_start3A_522, %dma_start3A_523, %dma_start3A_524] : memref<2x8x128xi32, #tpu.memory_space<vmem>> -> memref<1x1x128xi32, #tpu.memory_space<vmem>>
      %dma_start3A_526 = tpu.memref_squeeze %dma_start3A_525 : memref<1x1x128xi32, #tpu.memory_space<vmem>> -> memref<128xi32, #tpu.memory_space<vmem>>
      %dma_start3A_527 = arith.constant 0 : i32
      %dma_start3A_528 = arith.constant 0 : i32
      %dma_start3A_529 = tpu.memref_slice %arg2[%dma_start3A_527, %dma_start3A_528] : memref<10000x128xf32, #tpu.memory_space<hbm>> -> memref<10000x128xf32, #tpu.memory_space<hbm>>
      tpu.enqueue_indirect_dma source(%dma_start3A_529 : memref<10000x128xf32, #tpu.memory_space<hbm>>) target(%arg9 : memref<128x128xf32, #tpu.memory_space<vmem>>) offsets(%dma_start3A_526 : memref<128xi32, #tpu.memory_space<vmem>>) semaphore(%arg13 : memref<!tpu.dma_semaphore, #tpu.memory_space<semaphore_mem>>)
      %dma_wait3A_530 = arith.constant 1 : i32
      %dma_wait3A_531 = arith.constant 4 : i32
      %dma_wait3A_532 = arith.constant 0 : i32
      %dma_wait3A_533 = tpu.memref_slice %arg6[%dma_wait3A_530, %dma_wait3A_531, %dma_wait3A_532] : memref<2x8x128xi32, #tpu.memory_space<vmem>> -> memref<1x1x128xi32, #tpu.memory_space<vmem>>
      %dma_wait3A_534 = tpu.memref_squeeze %dma_wait3A_533 : memref<1x1x128xi32, #tpu.memory_space<vmem>> -> memref<128xi32, #tpu.memory_space<vmem>>
      %dma_wait3A_535 = arith.constant 0 : i32
      %dma_wait3A_536 = arith.constant 0 : i32
      %dma_wait3A_537 = tpu.memref_slice %arg2[%dma_wait3A_535, %dma_wait3A_536] : memref<10000x128xf32, #tpu.memory_space<hbm>> -> memref<10000x128xf32, #tpu.memory_space<hbm>>
      tpu.wait_indirect_dma semaphore(%arg12 : memref<!tpu.dma_semaphore, #tpu.memory_space<semaphore_mem>>) src(%dma_wait3A_537 : memref<10000x128xf32, #tpu.memory_space<hbm>>) dst(%arg8 : memref<128x128xf32, #tpu.memory_space<vmem>>)
      %dma_start3A_538 = arith.constant 1 : i32
      %dma_start3A_539 = arith.constant 6 : i32
      %dma_start3A_540 = arith.constant 0 : i32
      %dma_start3A_541 = tpu.memref_slice %arg6[%dma_start3A_538, %dma_start3A_539, %dma_start3A_540] : memref<2x8x128xi32, #tpu.memory_space<vmem>> -> memref<1x1x128xi32, #tpu.memory_space<vmem>>
      %dma_start3A_542 = tpu.memref_squeeze %dma_start3A_541 : memref<1x1x128xi32, #tpu.memory_space<vmem>> -> memref<128xi32, #tpu.memory_space<vmem>>
      %dma_start3A_543 = arith.constant 0 : i32
      %dma_start3A_544 = arith.constant 0 : i32
      %dma_start3A_545 = tpu.memref_slice %arg2[%dma_start3A_543, %dma_start3A_544] : memref<10000x128xf32, #tpu.memory_space<hbm>> -> memref<10000x128xf32, #tpu.memory_space<hbm>>
      tpu.enqueue_indirect_dma source(%dma_start3A_545 : memref<10000x128xf32, #tpu.memory_space<hbm>>) target(%arg8 : memref<128x128xf32, #tpu.memory_space<vmem>>) offsets(%dma_start3A_542 : memref<128xi32, #tpu.memory_space<vmem>>) semaphore(%arg12 : memref<!tpu.dma_semaphore, #tpu.memory_space<semaphore_mem>>)
      %dma_wait3A_546 = arith.constant 1 : i32
      %dma_wait3A_547 = arith.constant 5 : i32
      %dma_wait3A_548 = arith.constant 0 : i32
      %dma_wait3A_549 = tpu.memref_slice %arg6[%dma_wait3A_546, %dma_wait3A_547, %dma_wait3A_548] : memref<2x8x128xi32, #tpu.memory_space<vmem>> -> memref<1x1x128xi32, #tpu.memory_space<vmem>>
      %dma_wait3A_550 = tpu.memref_squeeze %dma_wait3A_549 : memref<1x1x128xi32, #tpu.memory_space<vmem>> -> memref<128xi32, #tpu.memory_space<vmem>>
      %dma_wait3A_551 = arith.constant 0 : i32
      %dma_wait3A_552 = arith.constant 0 : i32
      %dma_wait3A_553 = tpu.memref_slice %arg2[%dma_wait3A_551, %dma_wait3A_552] : memref<10000x128xf32, #tpu.memory_space<hbm>> -> memref<10000x128xf32, #tpu.memory_space<hbm>>
      tpu.wait_indirect_dma semaphore(%arg13 : memref<!tpu.dma_semaphore, #tpu.memory_space<semaphore_mem>>) src(%dma_wait3A_553 : memref<10000x128xf32, #tpu.memory_space<hbm>>) dst(%arg9 : memref<128x128xf32, #tpu.memory_space<vmem>>)
      %dma_start3A_554 = arith.constant 1 : i32
      %dma_start3A_555 = arith.constant 7 : i32
      %dma_start3A_556 = arith.constant 0 : i32
      %dma_start3A_557 = tpu.memref_slice %arg6[%dma_start3A_554, %dma_start3A_555, %dma_start3A_556] : memref<2x8x128xi32, #tpu.memory_space<vmem>> -> memref<1x1x128xi32, #tpu.memory_space<vmem>>
      %dma_start3A_558 = tpu.memref_squeeze %dma_start3A_557 : memref<1x1x128xi32, #tpu.memory_space<vmem>> -> memref<128xi32, #tpu.memory_space<vmem>>
      %dma_start3A_559 = arith.constant 0 : i32
      %dma_start3A_560 = arith.constant 0 : i32
      %dma_start3A_561 = tpu.memref_slice %arg2[%dma_start3A_559, %dma_start3A_560] : memref<10000x128xf32, #tpu.memory_space<hbm>> -> memref<10000x128xf32, #tpu.memory_space<hbm>>
      tpu.enqueue_indirect_dma source(%dma_start3A_561 : memref<10000x128xf32, #tpu.memory_space<hbm>>) target(%arg9 : memref<128x128xf32, #tpu.memory_space<vmem>>) offsets(%dma_start3A_558 : memref<128xi32, #tpu.memory_space<vmem>>) semaphore(%arg13 : memref<!tpu.dma_semaphore, #tpu.memory_space<semaphore_mem>>)
      %dma_wait3A_562 = arith.constant 1 : i32
      %dma_wait3A_563 = arith.constant 6 : i32
      %dma_wait3A_564 = arith.constant 0 : i32
      %dma_wait3A_565 = tpu.memref_slice %arg6[%dma_wait3A_562, %dma_wait3A_563, %dma_wait3A_564] : memref<2x8x128xi32, #tpu.memory_space<vmem>> -> memref<1x1x128xi32, #tpu.memory_space<vmem>>
      %dma_wait3A_566 = tpu.memref_squeeze %dma_wait3A_565 : memref<1x1x128xi32, #tpu.memory_space<vmem>> -> memref<128xi32, #tpu.memory_space<vmem>>
      %dma_wait3A_567 = arith.constant 0 : i32
      %dma_wait3A_568 = arith.constant 0 : i32
      %dma_wait3A_569 = tpu.memref_slice %arg2[%dma_wait3A_567, %dma_wait3A_568] : memref<10000x128xf32, #tpu.memory_space<hbm>> -> memref<10000x128xf32, #tpu.memory_space<hbm>>
      tpu.wait_indirect_dma semaphore(%arg12 : memref<!tpu.dma_semaphore, #tpu.memory_space<semaphore_mem>>) src(%dma_wait3A_569 : memref<10000x128xf32, #tpu.memory_space<hbm>>) dst(%arg8 : memref<128x128xf32, #tpu.memory_space<vmem>>)
      %dma_wait3A_570 = arith.constant 1 : i32
      %dma_wait3A_571 = arith.constant 7 : i32
      %dma_wait3A_572 = arith.constant 0 : i32
      %dma_wait3A_573 = tpu.memref_slice %arg6[%dma_wait3A_570, %dma_wait3A_571, %dma_wait3A_572] : memref<2x8x128xi32, #tpu.memory_space<vmem>> -> memref<1x1x128xi32, #tpu.memory_space<vmem>>
      %dma_wait3A_574 = tpu.memref_squeeze %dma_wait3A_573 : memref<1x1x128xi32, #tpu.memory_space<vmem>> -> memref<128xi32, #tpu.memory_space<vmem>>
      %dma_wait3A_575 = arith.constant 0 : i32
      %dma_wait3A_576 = arith.constant 0 : i32
      %dma_wait3A_577 = tpu.memref_slice %arg2[%dma_wait3A_575, %dma_wait3A_576] : memref<10000x128xf32, #tpu.memory_space<hbm>> -> memref<10000x128xf32, #tpu.memory_space<hbm>>
      tpu.wait_indirect_dma semaphore(%arg13 : memref<!tpu.dma_semaphore, #tpu.memory_space<semaphore_mem>>) src(%dma_wait3A_577 : memref<10000x128xf32, #tpu.memory_space<hbm>>) dst(%arg9 : memref<128x128xf32, #tpu.memory_space<vmem>>)
    }
    %scan3A_204 = arith.constant 20 : i32
    %barrier3A_205 = arith.constant 0 : index
    tpu.barrier barrier_id(%barrier3A_205)
    %mul3A_206 = arith.constant 640 : i32
    %mul3A_207 = arith.muli %arg1, %mul3A_206 : i32
    %mul3A_208 = arith.constant 640 : i32
    %mul3A_209 = arith.muli %arg1, %mul3A_208 : i32
    "tpu.region"() ({
      %run_scoped3A = tpu.sem_alloc : memref<!tpu.dma_semaphore, #tpu.memory_space<semaphore_mem>>
      %dma_start3A_210 = arith.constant 0 : i32
      %dma_start3A_211 = tpu.memref_slice %arg5[%arg0, %mul3A_209, %dma_start3A_210] : memref<1x10240x128xf32, #tpu.memory_space<hbm>> -> memref<1x640x128xf32, #tpu.memory_space<hbm>>
      %dma_start3A_212 = tpu.memref_squeeze %dma_start3A_211 : memref<1x640x128xf32, #tpu.memory_space<hbm>> -> memref<640x128xf32, #tpu.memory_space<hbm>>
      %dma_start3A_213 = arith.constant 0 : i32
      %dma_start3A_214 = tpu.memref_slice %arg11[%mul3A_207, %dma_start3A_213] : memref<10240x128xf32, #tpu.memory_space<vmem_shared>> -> memref<640x128xf32, #tpu.memory_space<vmem_shared>>
      tpu.enqueue_dma source(%dma_start3A_214 : memref<640x128xf32, #tpu.memory_space<vmem_shared>>) target(%dma_start3A_212 : memref<640x128xf32, #tpu.memory_space<hbm>>) target_semaphore(%run_scoped3A : memref<!tpu.dma_semaphore, #tpu.memory_space<semaphore_mem>>)
      %dma_wait3A = arith.constant 0 : i32
      %dma_wait3A_215 = tpu.memref_slice %arg5[%arg0, %mul3A_209, %dma_wait3A] : memref<1x10240x128xf32, #tpu.memory_space<hbm>> -> memref<1x640x128xf32, #tpu.memory_space<hbm>>
      %dma_wait3A_216 = tpu.memref_squeeze %dma_wait3A_215 : memref<1x640x128xf32, #tpu.memory_space<hbm>> -> memref<640x128xf32, #tpu.memory_space<hbm>>
      %dma_wait3A_217 = arith.constant 0 : i32
      %dma_wait3A_218 = tpu.memref_slice %arg11[%mul3A_207, %dma_wait3A_217] : memref<10240x128xf32, #tpu.memory_space<vmem_shared>> -> memref<640x128xf32, #tpu.memory_space<vmem_shared>>
      tpu.wait_dma2 semaphore(%run_scoped3A : memref<!tpu.dma_semaphore, #tpu.memory_space<semaphore_mem>>) src(%dma_wait3A_218 : memref<640x128xf32, #tpu.memory_space<vmem_shared>>) dst(%dma_wait3A_216 : memref<640x128xf32, #tpu.memory_space<hbm>>)
      tpu.yield
    }) : () -> ()
    return
  }
}

module attributes {stable_mosaic.version = 14 : i64} {
  func.func @_mlp_body(%arg0: memref<1x1xf32, #tpu.memory_space<vmem>>, %arg1: memref<10000x128xf32, #tpu.memory_space<vmem>>, %arg2: memref<1x10240x128xf32, #tpu.memory_space<vmem>>, %arg3: memref<128x128xf32, #tpu.memory_space<vmem>>, %arg4: memref<1x128xf32, #tpu.memory_space<vmem>>, %arg5: memref<1x128xf32, #tpu.memory_space<vmem>>, %arg6: memref<1x128xf32, #tpu.memory_space<vmem>>, %arg7: memref<128x128xf32, #tpu.memory_space<vmem>>, %arg8: memref<1x128xf32, #tpu.memory_space<vmem>>, %arg9: memref<10000x128xf32, #tpu.memory_space<vmem>>) attributes {dimension_semantics = [], scalar_prefetch = 0 : i64, scratch_operands = 0 : i64, tpu.core_type = #tpu.core_type<tc>} {
    %get3A = arith.constant 0 : index
    %get3A_0 = arith.constant 0 : index
    %get3A_1 = vector.load %arg0[%get3A, %get3A_0] : memref<1x1xf32, #tpu.memory_space<vmem>>, vector<1x1xf32>
    %get3A_2 = vector.extract %get3A_1[0, 0] : f32 from vector<1x1xf32>
    %get3A_3 = arith.constant 0 : index
    %get3A_4 = arith.constant 0 : index
    %get3A_5 = vector.load %arg1[%get3A_3, %get3A_4] : memref<10000x128xf32, #tpu.memory_space<vmem>>, vector<10000x128xf32>
    %mul3A = vector.broadcast %get3A_2 : f32 to vector<10000x128xf32>
    %mul3A_6 = arith.mulf %mul3A, %get3A_5 : vector<10000x128xf32>
    %get3A_7 = arith.constant 0 : index
    %get3A_8 = arith.constant 0 : index
    %get3A_9 = arith.constant 0 : index
    %get3A_10 = vector.load %arg2[%get3A_7, %get3A_8, %get3A_9] : memref<1x10240x128xf32, #tpu.memory_space<vmem>>, vector<1x10000x128xf32>
    %get3A_11 = vector.shape_cast %get3A_10 : vector<1x10000x128xf32> to vector<10000x128xf32>
    %add3A = arith.addf %mul3A_6, %get3A_11 : vector<10000x128xf32>
    %get3A_12 = arith.constant 0 : index
    %get3A_13 = arith.constant 0 : index
    %get3A_14 = vector.load %arg3[%get3A_12, %get3A_13] : memref<128x128xf32, #tpu.memory_space<vmem>>, vector<128x128xf32>
    %dot_general3A = arith.constant dense<0.000000e+00> : vector<10000x128xf32>
    %dot_general3A_15 = tpu.matmul %add3A, %get3A_14, %dot_general3A {dimension_numbers = #tpu.dot_dimension_numbers<[1], [0], [0], [1], [0, 0, 1, 1], [], []>, transpose_lhs_hint = false} : vector<10000x128xf32>, vector<128x128xf32>, vector<10000x128xf32> -> vector<10000x128xf32>
    %get3A_16 = arith.constant 0 : index
    %get3A_17 = arith.constant 0 : index
    %get3A_18 = vector.load %arg4[%get3A_16, %get3A_17] : memref<1x128xf32, #tpu.memory_space<vmem>>, vector<1x128xf32>
    %add3A_19 = vector.broadcast %get3A_18 : vector<1x128xf32> to vector<10000x128xf32>
    %add3A_20 = arith.addf %dot_general3A_15, %add3A_19 : vector<10000x128xf32>
    %reduce_sum3A = arith.constant dense<0.000000e+00> : vector<128xf32>
    %reduce_sum3A_21 = vector.multi_reduction <add>, %add3A_20, %reduce_sum3A [0] : vector<10000x128xf32> to vector<128xf32>
    %broadcast_in_dim3A = vector.shape_cast %reduce_sum3A_21 : vector<128xf32> to vector<1x128xf32>
    %div3A = arith.constant 1.000000e+04 : f32
    %div3A_22 = vector.broadcast %div3A : f32 to vector<1x128xf32>
    %div3A_23 = arith.divf %broadcast_in_dim3A, %div3A_22 : vector<1x128xf32>
    %sub3A = vector.broadcast %div3A_23 : vector<1x128xf32> to vector<10000x128xf32>
    %sub3A_24 = arith.subf %add3A_20, %sub3A : vector<10000x128xf32>
    %integer_pow3A = arith.mulf %sub3A_24, %sub3A_24 : vector<10000x128xf32>
    %reduce_sum3A_25 = arith.constant dense<0.000000e+00> : vector<128xf32>
    %reduce_sum3A_26 = vector.multi_reduction <add>, %integer_pow3A, %reduce_sum3A_25 [0] : vector<10000x128xf32> to vector<128xf32>
    %broadcast_in_dim3A_27 = vector.shape_cast %reduce_sum3A_26 : vector<128xf32> to vector<1x128xf32>
    %div3A_28 = arith.constant 1.000000e+04 : f32
    %div3A_29 = vector.broadcast %div3A_28 : f32 to vector<1x128xf32>
    %div3A_30 = arith.divf %broadcast_in_dim3A_27, %div3A_29 : vector<1x128xf32>
    %sub3A_31 = vector.broadcast %div3A_23 : vector<1x128xf32> to vector<10000x128xf32>
    %sub3A_32 = arith.subf %add3A_20, %sub3A_31 : vector<10000x128xf32>
    %add3A_33 = arith.constant 9.99999974E-6 : f32
    %add3A_34 = vector.broadcast %add3A_33 : f32 to vector<1x128xf32>
    %add3A_35 = arith.addf %div3A_30, %add3A_34 : vector<1x128xf32>
    %sqrt3A = math.sqrt %add3A_35 : vector<1x128xf32>
    %div3A_36 = vector.broadcast %sqrt3A : vector<1x128xf32> to vector<10000x128xf32>
    %div3A_37 = arith.divf %sub3A_32, %div3A_36 : vector<10000x128xf32>
    %get3A_38 = arith.constant 0 : index
    %get3A_39 = arith.constant 0 : index
    %get3A_40 = vector.load %arg5[%get3A_38, %get3A_39] : memref<1x128xf32, #tpu.memory_space<vmem>>, vector<1x128xf32>
    %mul3A_41 = vector.broadcast %get3A_40 : vector<1x128xf32> to vector<10000x128xf32>
    %mul3A_42 = arith.mulf %div3A_37, %mul3A_41 : vector<10000x128xf32>
    %get3A_43 = arith.constant 0 : index
    %get3A_44 = arith.constant 0 : index
    %get3A_45 = vector.load %arg6[%get3A_43, %get3A_44] : memref<1x128xf32, #tpu.memory_space<vmem>>, vector<1x128xf32>
    %add3A_46 = vector.broadcast %get3A_45 : vector<1x128xf32> to vector<10000x128xf32>
    %add3A_47 = arith.addf %mul3A_42, %add3A_46 : vector<10000x128xf32>
    %max3A = arith.constant 0.000000e+00 : f32
    %max3A_48 = vector.broadcast %max3A : f32 to vector<10000x128xf32>
    %max3A_49 = arith.maximumf %add3A_47, %max3A_48 : vector<10000x128xf32>
    %get3A_50 = arith.constant 0 : index
    %get3A_51 = arith.constant 0 : index
    %get3A_52 = vector.load %arg7[%get3A_50, %get3A_51] : memref<128x128xf32, #tpu.memory_space<vmem>>, vector<128x128xf32>
    %dot_general3A_53 = arith.constant dense<0.000000e+00> : vector<10000x128xf32>
    %dot_general3A_54 = tpu.matmul %max3A_49, %get3A_52, %dot_general3A_53 {dimension_numbers = #tpu.dot_dimension_numbers<[1], [0], [0], [1], [0, 0, 1, 1], [], []>, transpose_lhs_hint = false} : vector<10000x128xf32>, vector<128x128xf32>, vector<10000x128xf32> -> vector<10000x128xf32>
    %get3A_55 = arith.constant 0 : index
    %get3A_56 = arith.constant 0 : index
    %get3A_57 = vector.load %arg8[%get3A_55, %get3A_56] : memref<1x128xf32, #tpu.memory_space<vmem>>, vector<1x128xf32>
    %add3A_58 = vector.broadcast %get3A_57 : vector<1x128xf32> to vector<10000x128xf32>
    %add3A_59 = arith.addf %dot_general3A_54, %add3A_58 : vector<10000x128xf32>
    %swap3A = arith.constant 0 : index
    %swap3A_60 = arith.constant 0 : index
    %swap3A_61 = vector.load %arg9[%swap3A, %swap3A_60] : memref<10000x128xf32, #tpu.memory_space<vmem>>, vector<10000x128xf32>
    tpu.vector_store %arg9[%swap3A, %swap3A_60], %add3A_59 {strides = array<i32>} : memref<10000x128xf32, #tpu.memory_space<vmem>>, vector<10000x128xf32>,
    return
  }
}

</mosaic_0001>

<sc_bundles>
// kernel: kernel.4.cloned.1.call-start
scs
__scs_entry_jumppad:
0x0: {  	(pc) =	sbr.rel $0x88, $3  }
0x1: {  	(tag) =	ssettag $0x0;
	lr =	simm.s32 $0x1  }
0x2: {  	[smem:$0x3F98] =	sst lr;
	_ =	strace $0xD0000000  }
0x3: {  	_ = 	snop  }
0x4: {  	_ = 	snop  }
0x5: {  	_ = 	snop  }
0x6: {  	_ = 	snop  }
0x7: {  	_ = 	snop  }
__scs_overlays_trampoline_lowered:
0x8: {  	[smem:$0x3FA7] =	sst s0  }
0x9: {  	[smem:$0x3FA8] =	sst s1  }
0xa: {  	[smem:$0x3FA9] =	sst s2  }
0xb: {  	[smem:$0x3FAA] =	sst s3  }
0xc: {  	[smem:$0x3FAB] =	sst s4  }
0xd: {  	[smem:$0x3FAC] =	sst s5  }
0xe: {  	[smem:$0x3FAD] =	sst s6  }
0xf: {  	[smem:$0x3FAE] =	sst s7  }
0x10: {  	[smem:$0x3FAF] =	sst s8  }
0x11: {  	[smem:$0x3FB0] =	sst s9;
	s0 =	simm.s32 @!p0 $0x0  }
0x12: {  	s1 =	sld [smem:$0x3F96];
	s0 =	simm.s32 @p0 $0x1  }
0x13: {  	[smem:$0x3FB1] =	sst s0;
	s0 =	simm.s32 @!p1 $0x0  }
0x14: {  	s2 =	sld [smem:$0x3F95];
	s0 =	simm.s32 @p1 $0x1  }
0x15: {  	[smem:$0x3FB2] =	sst s0;
	s0 =	simm.s32 @!p2 $0x0  }
0x16: {  	s3 =	sld [smem:$0x3FDB];
	s0 =	simm.s32 @p2 $0x1  }
0x17: {  	s4 =	simm.s32 $0x1BF5;
	[smem:$0x3FB4] =	sst s0  }
0x18: {  	s0 =	sld [smem:$0x3F97];
	_ =	swait.ge [sflag:s4], $0x0  }
0x19: {  	s7 =	sld [smem:$0x3F98]  }
0x1a: {  	s8 =	sadd.s32 $0xFFFFE003, lr  }
0x1b: {  	s9 =	sadd.s32 $0xFFFFFEF7, lr;
	s5 =	simm.s32 $0xFFFFFFFF;
	p2 =	slt.u32 s8, $0xFFFFF086  }
0x1c: {  	p1 =	slt.u32 s9, $0xF7A;
	s5 =	simm.s32 @!p2 $0x0  }
0x1d: {  	s5 =	simm.s32 @p1 $0x1;
	p0 =	seq.s32 s7, s2  }
0x1e: {  	s7 =	smul.u32 @!p0 $0xF7A, s2;
	p2 =	seq.s32 @!p0 s5, $0x0  }
0x1f: {  	s9 =	smul.u32 $0xF7A, s1;
	s8 =	simm.s32 @!p0 $0x1BF5;
	p2 =	por !p2, p0  }
0x20: {  	[sflag:s8] =	ssyncset.s32 @!p0 $0xFFFFF086;
	s6 =	sadd.s32 @!p0 s3, s7;
	s7 =	simm.s32 @!p0 $0x108  }
0x21: {  	s3 =	sadd.s32 s3, s9;
	s6 =	sadd.s32 @!p0 $0x88, s6;
	s7 =	simm.s32 @p2 $0x1082  }
0x22: {  	[simem:s7], [sflag:s8] =	dma.local @!p0 [hbm:s6], $0xF7A  }
0x23: {  	s9 =	sor.u32 $0xD0000000, s2;
	s6 =	simm.s32 $0x108;
	_ =	swait.ge @!p0 [sflag:s8], $0x0  }
0x24: {  	s3 =	sadd.s32 $0x88, s3;
	s6 =	simm.s32 @!p1 $0x1082;
	[sflag:s4] =	ssyncset.s32 $0xFFFFF086  }
0x25: {  	[simem:s6], [sflag:s4] =	dma.local [hbm:s3], $0xF7A  }
0x26: {  	[smem:$0x3F98] =	sst s1;
	(tag) =	ssettag s2;
	_ =	strace s9  }
0x27: {  	s1 =	sld [smem:$0x3FA8]  }
0x28: {  	s2 =	sld [smem:$0x3FA9]  }
0x29: {  	s4 =	sld [smem:$0x3FAB]  }
0x2a: {  	p0 =	seq.s32 s5, $0x0;
	s5 =	sld [smem:$0x3FAC]  }
0x2b: {  	s6 =	sld [smem:$0x3FAD]  }
0x2c: {  	s7 =	sld [smem:$0x3FAE]  }
0x2d: {  	s3 =	simm.s32 $0x108;
	s8 =	sld [smem:$0x3FAF]  }
0x2e: {  	s3 =	simm.s32 @!p0 $0x1082;
	s9 =	sld [smem:$0x3FB0]  }
0x2f: {  	lr =	sadd.s32 s0, s3;
	s0 =	sld [smem:$0x3FA7]  }
0x30: {  	s3 =	sld [smem:$0x3FAA]  }
0x31: {  	[smem:$0x3FB3] =	sst s10  }
0x32: {  	s10 =	sld [smem:$0x3FB1];
	_ =	sdelay $0x3  }
0x33: {  	p0 =	seq.s32 s10, $0x1;
	s10 =	sld [smem:$0x3FB3];
	_ =	sdelay $0x3  }
0x34: {  	[smem:$0x3FB3] =	sst s10  }
0x35: {  	s10 =	sld [smem:$0x3FB2];
	_ =	sdelay $0x3  }
0x36: {  	p1 =	seq.s32 s10, $0x1;
	s10 =	sld [smem:$0x3FB3];
	_ =	sdelay $0x3  }
0x37: {  	[smem:$0x3FB3] =	sst s10  }
0x38: {  	s10 =	sld [smem:$0x3FB4]  }
0x39: {  	_ = 	snop;
	(pc) =	sbr.ind lr, $3  }
0x3a: {  	_ = 	snop  }
0x3b: {  	_ = 	snop  }
0x3c: {  	p2 =	seq.s32 s10, $0x1;
	s10 =	sld [smem:$0x3FB3]  }
0x3d: {  	_ =	shalt  }
0x3e: {  	_ =	shalt  }
0x3f: {  	_ =	shalt  }
0x40: {  	_ =	shalt  }
0x41: {  	_ =	shalt  }
0x42: {  	_ =	shalt  }
0x43: {  	_ =	shalt  }
0x44: {  	_ =	shalt  }
0x45: {  	_ =	shalt  }
0x46: {  	_ =	shalt  }
0x47: {  	_ =	shalt  }
0x48: {  	_ =	shalt  }
0x49: {  	_ =	shalt  }
0x4a: {  	_ =	shalt  }
0x4b: {  	_ =	shalt  }
0x4c: {  	_ =	shalt  }
0x4d: {  	_ =	shalt  }
0x4e: {  	_ =	shalt  }
0x4f: {  	_ =	shalt  }
0x50: {  	_ =	shalt  }
0x51: {  	_ =	shalt  }
0x52: {  	_ =	shalt  }
0x53: {  	_ =	shalt  }
0x54: {  	_ =	shalt  }
0x55: {  	_ =	shalt  }
0x56: {  	_ =	shalt  }
0x57: {  	_ =	shalt  }
0x58: {  	_ =	shalt  }
0x59: {  	_ =	shalt  }
0x5a: {  	_ =	shalt  }
0x5b: {  	_ =	shalt  }
0x5c: {  	_ =	shalt  }
0x5d: {  	_ =	shalt  }
0x5e: {  	_ =	shalt  }
0x5f: {  	_ =	shalt  }
0x60: {  	_ =	shalt  }
0x61: {  	_ =	shalt  }
0x62: {  	_ =	shalt  }
0x63: {  	_ =	shalt  }
0x64: {  	_ =	shalt  }
0x65: {  	_ =	shalt  }
0x66: {  	_ =	shalt  }
0x67: {  	_ =	shalt  }
0x68: {  	_ =	shalt  }
0x69: {  	_ =	shalt  }
0x6a: {  	_ =	shalt  }
0x6b: {  	_ =	shalt  }
0x6c: {  	_ =	shalt  }
0x6d: {  	_ =	shalt  }
0x6e: {  	_ =	shalt  }
0x6f: {  	_ =	shalt  }
0x70: {  	_ =	shalt  }
0x71: {  	_ =	shalt  }
0x72: {  	_ =	shalt  }
0x73: {  	_ =	shalt  }
0x74: {  	_ =	shalt  }
0x75: {  	_ =	shalt  }
0x76: {  	_ =	shalt  }
0x77: {  	_ =	shalt  }
0x78: {  	_ =	shalt  }
0x79: {  	_ =	shalt  }
0x7a: {  	_ =	shalt  }
0x7b: {  	_ =	shalt  }
0x7c: {  	_ =	shalt  }
0x7d: {  	_ =	shalt  }
0x7e: {  	_ =	shalt  }
0x7f: {  	_ =	shalt  }
0x80: {  	_ =	shalt  }
0x81: {  	_ =	shalt  }
0x82: {  	_ =	shalt  }
0x83: {  	_ =	shalt  }
0x84: {  	_ =	shalt  }
0x85: {  	_ =	shalt  }
0x86: {  	_ =	shalt  }
0x87: {  	_ =	shalt  }
.Lfunc_end0:
.L_simem_size_0:
called_computation_lowered:
.L_overlay_start_0:
0x88: {  	s0 =	sld [smem:$0x3FD9]  }
0x89: {  	s1 =	sld [smem:$0x3FFE];
	_ =	sdelay $0x3  }
0x8a: {  	s0 =	sadd.s32 s1, s0  }
0x8b: {  	[smem:$0x3FBF] =	sst s0  }
0x8c: {  	_ = 	snop  }
0x8d: {  	s0 =	sld [smem:$0x3FC9]  }
0x8e: {  	s16 =	sld [smem:$0x3FD0];
	(tm) =	ssettm $0x1  }
0x8f: {  	s2 =	sld [smem:$0x3FFB];
	_ =	sdelay $0x3  }
0x90: {  	_ =	strace s2  }
0x91: {  	s2 =	sld [smem:$0x3FFC];
	_ =	sdelay $0x3  }
0x92: {  	_ =	strace s2  }
0x93: {  	s2 =	sld [smem:$0x3FFD];
	_ =	sdelay $0x3  }
0x94: {  	_ =	strace s2  }
0x95: {  	_ =	strace $0x8FFFFFFF  }
0x96: {  	s17 =	sld [smem:$0x3FDB];
	_ =	sdelay $0x1  }
0x97: {  	s3 =	simm.s32 $_scs_section_size  }
0x98: {  	s4 =	simm.s32 $_size__tile_overlayer_lowered;
	s5 =	simm.s32 $_tile_overlayer_lowered  }
0x99: {  	s20 =	simm.s32 $0x1BFF;
	s19 =	sshll.u32 s5, $0x1;
	s2 =	sadd.s32 s3, s17  }
0x9a: {  	s6 =	simm.s32 $0x0;
	s18 =	sshll.u32 s4, $0x1;
	s4 =	sadd.s32 s19, s2  }
0x9b: {  	[timem:s6], [sflag:s20] =	dma.local [hbm:s4], s18  }
0x9c: {  	_ =	swait.ge [sflag:s20], s18  }
0x9d: {  	s3 =	ssub.s32 $0x0, s18;
	[sflag:s20] =	ssyncset.done $0x0  }
0x9e: {  	[sflag:s20] =	ssyncadd.s32 s3;
	_ =	sdelay $0x1  }
0x9f: {  	s21 =	simm.s32 $0x1B8B  }
0xa0: {  	_ =	swait.ge [sflag:s21], $0x1  }
0xa1: {  	[sflag:s21] =	ssyncset.done $0x0  }
0xa2: {  	s23 =	simm.s32 $0x1B8E;
	s22 =	sld [smem:$0x3FFE];
	[sflag:s21] =	ssyncadd.s32 $0xFFFFFFFF  }
0xa3: {  	s24 =	simm.s32 $execute0_lowered;
	[smem:$0x3FD2] =	sst s23  }
0xa4: {  	s4 =	sshll.u32 s24, $0x1;
	_ =	strace $0x80000046;
	[dreg:$0x1] =	wrdreg $0xFFFFFFFF  }
0xa5: {  	s25 =	simm.s32 $_size_execute0_lowered;
	s2 =	sadd.s32 s2, s4;
	[dreg:$0x0] =	wrdreg $0x0  }
0xa6: {  	s4 =	sshll.u32 s25, $0x1;
	[dreg:$0x2] =	wrdreg s2  }
0xa7: {  	[dreg:$0x3] =	wrdreg s4  }
0xa8: {  	[dreg:$0x4] =	wrdreg $0xC0  }
0xa9: {  	_ =	task [dreg:s6], $0x5FFFF  }
0xaa: {  	[dreg:$0x1] =	wrdreg $0xFFFFFFFF  }
0xab: {  	[dreg:$0x0] =	wrdreg $0x60  }
0xac: {  	[dreg:$0x2] =	wrdreg s0  }
0xad: {  	[dreg:$0x3] =	wrdreg s22  }
0xae: {  	[dreg:$0x4] =	wrdreg s16  }
0xaf: {  	[dreg:$0x5] =	wrdreg $0x98000  }
0xb0: {  	[dreg:$0x6] =	wrdreg $0x9  }
0xb1: {  	_ =	task.clear_ibuf [dreg:s6], $0x7FFFF;
	_ =	strace $0x90000046  }
0xb2: {  	s26 =	simm.s32 $0x9;
	_ =	strace $0x80000048  }
0xb3: {  	_ =	swait.ge [sflag:s26], $0x1  }
0xb4: {  	[sflag:s26] =	ssyncadd.s32 $0xFFFFFFFF  }
0xb5: {  	_ =	strace $0x90000048  }
0xb6: {  	_ =	sfence  }
0xb7: {  	s28 =	sld [smem:$0x0];
	_ =	sdelay $0x1  }
0xb8: {  	s29 =	srdreg.scid  }
0xb9: {  	s30 =	sshll.u32 s29, $0xD;
	s31 =	sshrl.u32 s29, $0x2  }
0xba: {  	s1 =	sand.u32 $0x1, s29;
	s2 =	sand.u32 $0x4000, s30;
	s0 =	sadd.s32 s31, s28  }
0xbb: {  	s1 =	sor.u32 s2, s1;
	s0 =	sshll.u32 s0, $0x11  }
0xbc: {  	s0 =	sor.u32 s0, s1  }
0xbd: {  	s0 =	sadd.s32 $0x8F2B, s0  }
0xbe: {  	[sflag:s0] =	ssyncadd.remote.s32 $0x1  }
0xbf: {  	_ =	sfence.sel $0xFFFF  }
0xc0: {  	[dreg:$0x0] =	wrdreg $0xFFFFFFFF;
	(pc) =	sbr.abs _section_cstart, $3  }
0xc1: {  	[dreg:$0x1] =	wrdreg $0xFFFFFFFF  }
0xc2: {  	_ =	task.clear_ibuf [dreg:s6], $0x2FFFF;
	_ =	strace $0x9FFFFFFF  }
0xc3: {  	(tm) =	ssettm $0x7FFFFFFF  }
tec
execute0_lowered:
.L_overlay_start_1:
0x0: {  	(tag) =	ssettag $0x1  }
0x1: {  	s2 =	rddreg [dreg:$0x0]  }
0x2: {  	s1 =	rddreg [dreg:$0x1]  }
0x3: {  	s5 =	rddreg [dreg:$0x2]  }
0x4: {  	s4 =	rddreg [dreg:$0x3]  }
0x5: {  	s0 =	rddreg [dreg:$0x4];
	s3 =	simm.s32 $0x0;
	s7 =	simm.s32 $0x0  }
0x6: {  	s8 =	simm.s32 $0x200;
	[smem:$0x7FF] =	sst s3;
	s6 =	sadd.s32 $0x1400, s1  }
0x7: {  	v0 =	vimm.f32 $0.0e+00;
	s3 =	sadd.s32 $0x15400, s1;
	s1 =	stileid.u32;
	_ =	strace $0x80000047  }
.LBB2_1:
0x8: {  	p0 =	sne.s32 s8, $0x1E00;
	[tilespmem:s7+$0x9070] =	vst v0  }
0x9: {  	[tilespmem:s7+$0x9000] =	vst v0  }
0xa: {  	[tilespmem:s7+$0x9010] =	vst v0  }
.Ltmp0:
0xb: {  	[tilespmem:s7+$0x9020] =	vst v0;
	(pc) =	sbr.rel @p0 .LBB2_1-.Ltmp0, $4  }
0xc: {  	[tilespmem:s7+$0x9030] =	vst v0  }
0xd: {  	[tilespmem:s7+$0x9040] =	vst v0  }
0xe: {  	[tilespmem:s7+$0x9050] =	vst v0  }
0xf: {  	[tilespmem:s7+$0x9060] =	vst v0;
	s7 =	sshra.s32 s8, $0x2;
	s8 =	sadd.s32 $0x200, s8  }
0x10: {  	[tilespmem:s7+$0x9070] =	vst v0  }
0x11: {  	[tilespmem:s7+$0x9000] =	vst v0  }
0x12: {  	[tilespmem:s7+$0x9010] =	vst v0  }
0x13: {  	[tilespmem:s7+$0x9020] =	vst v0  }
0x14: {  	[tilespmem:s7+$0x9030] =	vst v0;
	s8 =	smul.u32 $0x50000, s1  }
0x15: {  	[tilespmem:s7+$0x9040] =	vst v0  }
0x16: {  	[tilespmem:s7+$0x9050] =	vst v0;
	s8 =	sshrl.u32 s8, $0x2  }
0x17: {  	[tilespmem:s7+$0x9060] =	vst v0;
	s7 =	simm.s32 $0x7;
	s4 =	sadd.s32 s8, s4;
	s8 =	simm.s32 $0x9000  }
0x18: {  	[spmem:s4] =	stream.linear.scatter [tilespmem:s8], [sflag:$0x7], $0x800, $0x38;
	[tilespmem:$0x1D800] =	vst v63  }
0x19: {  	_ =	swait.ge [sflag:s7], $0x800  }
0x1a: {  	[sflag:s7] =	ssyncset.done $0x0  }
0x1b: {  	s9 =	sadd.s32 $0x800, s4;
	[sflag:s7] =	ssyncadd.s32 $0xFFFFF800  }
0x1c: {  	[spmem:s9] =	stream.linear.scatter [tilespmem:s8], [sflag:$0x7], $0x800, $0x38;
	[tilespmem:$0x1D800] =	vst v63  }
0x1d: {  	_ =	swait.ge [sflag:s7], $0x800  }
0x1e: {  	[sflag:s7] =	ssyncset.done $0x0  }
0x1f: {  	s31 =	sadd.s32 $0x1000, s4;
	[sflag:s7] =	ssyncadd.s32 $0xFFFFF800  }
0x20: {  	[spmem:s31] =	stream.linear.scatter [tilespmem:s8], [sflag:$0x7], $0x800, $0x38;
	[tilespmem:$0x1D800] =	vst v63  }
0x21: {  	_ =	swait.ge [sflag:s7], $0x800  }
0x22: {  	[sflag:s7] =	ssyncset.done $0x0  }
0x23: {  	s10 =	sadd.s32 $0x1800, s4;
	[sflag:s7] =	ssyncadd.s32 $0xFFFFF800  }
0x24: {  	[spmem:s10] =	stream.linear.scatter [tilespmem:s8], [sflag:$0x7], $0x800, $0x38;
	[tilespmem:$0x1D800] =	vst v63  }
0x25: {  	_ =	swait.ge [sflag:s7], $0x800  }
0x26: {  	[sflag:s7] =	ssyncset.done $0x0  }
0x27: {  	s11 =	sadd.s32 $0x2000, s4;
	[sflag:s7] =	ssyncadd.s32 $0xFFFFF800  }
0x28: {  	[spmem:s11] =	stream.linear.scatter [tilespmem:s8], [sflag:$0x7], $0x800, $0x38;
	[tilespmem:$0x1D800] =	vst v63  }
0x29: {  	_ =	swait.ge [sflag:s7], $0x800  }
0x2a: {  	[sflag:s7] =	ssyncset.done $0x0  }
0x2b: {  	s12 =	sadd.s32 $0x2800, s4;
	[sflag:s7] =	ssyncadd.s32 $0xFFFFF800  }
0x2c: {  	[spmem:s12] =	stream.linear.scatter [tilespmem:s8], [sflag:$0x7], $0x800, $0x38;
	[tilespmem:$0x1D800] =	vst v63  }
0x2d: {  	_ =	swait.ge [sflag:s7], $0x800  }
0x2e: {  	[sflag:s7] =	ssyncset.done $0x0  }
0x2f: {  	s13 =	sadd.s32 $0x3000, s4;
	[sflag:s7] =	ssyncadd.s32 $0xFFFFF800  }
0x30: {  	[spmem:s13] =	stream.linear.scatter [tilespmem:s8], [sflag:$0x7], $0x800, $0x38;
	[tilespmem:$0x1D800] =	vst v63  }
0x31: {  	_ =	swait.ge [sflag:s7], $0x800  }
0x32: {  	[sflag:s7] =	ssyncset.done $0x0  }
0x33: {  	s14 =	sadd.s32 $0x3800, s4;
	[sflag:s7] =	ssyncadd.s32 $0xFFFFF800  }
0x34: {  	[spmem:s14] =	stream.linear.scatter [tilespmem:s8], [sflag:$0x7], $0x800, $0x38;
	[tilespmem:$0x1D800] =	vst v63  }
0x35: {  	_ =	swait.ge [sflag:s7], $0x800  }
0x36: {  	[sflag:s7] =	ssyncset.done $0x0  }
0x37: {  	s15 =	sadd.s32 $0x4000, s4;
	[sflag:s7] =	ssyncadd.s32 $0xFFFFF800  }
0x38: {  	[spmem:s15] =	stream.linear.scatter [tilespmem:s8], [sflag:$0x7], $0x800, $0x38;
	[tilespmem:$0x1D800] =	vst v63  }
0x39: {  	_ =	swait.ge [sflag:s7], $0x800  }
0x3a: {  	[sflag:s7] =	ssyncset.done $0x0  }
0x3b: {  	s16 =	sadd.s32 $0x4800, s4;
	[sflag:s7] =	ssyncadd.s32 $0xFFFFF800  }
0x3c: {  	[spmem:s16] =	stream.linear.scatter [tilespmem:s8], [sflag:$0x7], $0x800, $0x38;
	[tilespmem:$0x1D800] =	vst v63  }
0x3d: {  	_ =	swait.ge [sflag:s7], $0x800  }
0x3e: {  	[sflag:s7] =	ssyncset.done $0x0  }
0x3f: {  	s17 =	sadd.s32 $0x5000, s4;
	[sflag:s7] =	ssyncadd.s32 $0xFFFFF800  }
0x40: {  	[spmem:s17] =	stream.linear.scatter [tilespmem:s8], [sflag:$0x7], $0x800, $0x38;
	[tilespmem:$0x1D800] =	vst v63  }
0x41: {  	_ =	swait.ge [sflag:s7], $0x800  }
0x42: {  	[sflag:s7] =	ssyncset.done $0x0  }
0x43: {  	s18 =	sadd.s32 $0x5800, s4;
	[sflag:s7] =	ssyncadd.s32 $0xFFFFF800  }
0x44: {  	[spmem:s18] =	stream.linear.scatter [tilespmem:s8], [sflag:$0x7], $0x800, $0x38;
	[tilespmem:$0x1D800] =	vst v63  }
0x45: {  	_ =	swait.ge [sflag:s7], $0x800  }
0x46: {  	[sflag:s7] =	ssyncset.done $0x0  }
0x47: {  	s19 =	sadd.s32 $0x6000, s4;
	[sflag:s7] =	ssyncadd.s32 $0xFFFFF800  }
0x48: {  	[spmem:s19] =	stream.linear.scatter [tilespmem:s8], [sflag:$0x7], $0x800, $0x38;
	[tilespmem:$0x1D800] =	vst v63  }
0x49: {  	_ =	swait.ge [sflag:s7], $0x800  }
0x4a: {  	[sflag:s7] =	ssyncset.done $0x0  }
0x4b: {  	s20 =	sadd.s32 $0x6800, s4;
	[sflag:s7] =	ssyncadd.s32 $0xFFFFF800  }
0x4c: {  	[spmem:s20] =	stream.linear.scatter [tilespmem:s8], [sflag:$0x7], $0x800, $0x38;
	[tilespmem:$0x1D800] =	vst v63  }
0x4d: {  	_ =	swait.ge [sflag:s7], $0x800  }
0x4e: {  	[sflag:s7] =	ssyncset.done $0x0  }
0x4f: {  	s21 =	sadd.s32 $0x7000, s4;
	[sflag:s7] =	ssyncadd.s32 $0xFFFFF800  }
0x50: {  	[spmem:s21] =	stream.linear.scatter [tilespmem:s8], [sflag:$0x7], $0x800, $0x38;
	[tilespmem:$0x1D800] =	vst v63  }
0x51: {  	_ =	swait.ge [sflag:s7], $0x800  }
0x52: {  	[sflag:s7] =	ssyncset.done $0x0  }
0x53: {  	s22 =	sadd.s32 $0x7800, s4;
	[sflag:s7] =	ssyncadd.s32 $0xFFFFF800  }
0x54: {  	[spmem:s22] =	stream.linear.scatter [tilespmem:s8], [sflag:$0x7], $0x800, $0x38;
	[tilespmem:$0x1D800] =	vst v63  }
0x55: {  	_ =	swait.ge [sflag:s7], $0x800  }
0x56: {  	[sflag:s7] =	ssyncset.done $0x0  }
0x57: {  	s23 =	sadd.s32 $0x8000, s4;
	[sflag:s7] =	ssyncadd.s32 $0xFFFFF800  }
0x58: {  	[spmem:s23] =	stream.linear.scatter [tilespmem:s8], [sflag:$0x7], $0x800, $0x38;
	[tilespmem:$0x1D800] =	vst v63  }
0x59: {  	_ =	swait.ge [sflag:s7], $0x800  }
0x5a: {  	[sflag:s7] =	ssyncset.done $0x0  }
0x5b: {  	s24 =	sadd.s32 $0x8800, s4;
	[sflag:s7] =	ssyncadd.s32 $0xFFFFF800  }
0x5c: {  	[spmem:s24] =	stream.linear.scatter [tilespmem:s8], [sflag:$0x7], $0x800, $0x38;
	[tilespmem:$0x1D800] =	vst v63  }
0x5d: {  	_ =	swait.ge [sflag:s7], $0x800  }
0x5e: {  	[sflag:s7] =	ssyncset.done $0x0  }
0x5f: {  	s25 =	sadd.s32 $0x9000, s4;
	[sflag:s7] =	ssyncadd.s32 $0xFFFFF800  }
0x60: {  	[spmem:s25] =	stream.linear.scatter [tilespmem:s8], [sflag:$0x7], $0x800, $0x38;
	[tilespmem:$0x1D800] =	vst v63  }
0x61: {  	_ =	swait.ge [sflag:s7], $0x800  }
0x62: {  	[sflag:s7] =	ssyncset.done $0x0  }
0x63: {  	s26 =	sadd.s32 $0x9800, s4;
	[sflag:s7] =	ssyncadd.s32 $0xFFFFF800  }
0x64: {  	[spmem:s26] =	stream.linear.scatter [tilespmem:s8], [sflag:$0x7], $0x800, $0x38;
	[tilespmem:$0x1D800] =	vst v63  }
0x65: {  	_ =	swait.ge [sflag:s7], $0x800  }
0x66: {  	[sflag:s7] =	ssyncset.done $0x0  }
0x67: {  	s30 =	sadd.s32 $0xA000, s4;
	[sflag:s7] =	ssyncadd.s32 $0xFFFFF800  }
0x68: {  	[spmem:s30] =	stream.linear.scatter [tilespmem:s8], [sflag:$0x7], $0x800, $0x38;
	[tilespmem:$0x1D800] =	vst v63  }
0x69: {  	_ =	swait.ge [sflag:s7], $0x800  }
0x6a: {  	[sflag:s7] =	ssyncset.done $0x0  }
0x6b: {  	s31 =	sadd.s32 $0xA800, s4;
	[sflag:s7] =	ssyncadd.s32 $0xFFFFF800  }
0x6c: {  	[spmem:s31] =	stream.linear.scatter [tilespmem:s8], [sflag:$0x7], $0x800, $0x38;
	[tilespmem:$0x1D800] =	vst v63  }
0x6d: {  	_ =	swait.ge [sflag:s7], $0x800  }
0x6e: {  	[sflag:s7] =	ssyncset.done $0x0  }
0x6f: {  	s10 =	sadd.s32 $0xB000, s4;
	[sflag:s7] =	ssyncadd.s32 $0xFFFFF800  }
0x70: {  	[spmem:s10] =	stream.linear.scatter [tilespmem:s8], [sflag:$0x7], $0x800, $0x38;
	[tilespmem:$0x1D800] =	vst v63  }
0x71: {  	_ =	swait.ge [sflag:s7], $0x800  }
0x72: {  	[sflag:s7] =	ssyncset.done $0x0  }
0x73: {  	s11 =	sadd.s32 $0xB800, s4;
	[sflag:s7] =	ssyncadd.s32 $0xFFFFF800  }
0x74: {  	[spmem:s11] =	stream.linear.scatter [tilespmem:s8], [sflag:$0x7], $0x800, $0x38;
	[tilespmem:$0x1D800] =	vst v63  }
0x75: {  	_ =	swait.ge [sflag:s7], $0x800  }
0x76: {  	[sflag:s7] =	ssyncset.done $0x0  }
0x77: {  	s12 =	sadd.s32 $0xC000, s4;
	[sflag:s7] =	ssyncadd.s32 $0xFFFFF800  }
0x78: {  	[spmem:s12] =	stream.linear.scatter [tilespmem:s8], [sflag:$0x7], $0x800, $0x38;
	[tilespmem:$0x1D800] =	vst v63  }
0x79: {  	_ =	swait.ge [sflag:s7], $0x800  }
0x7a: {  	[sflag:s7] =	ssyncset.done $0x0  }
0x7b: {  	s13 =	sadd.s32 $0xC800, s4;
	[sflag:s7] =	ssyncadd.s32 $0xFFFFF800  }
0x7c: {  	[spmem:s13] =	stream.linear.scatter [tilespmem:s8], [sflag:$0x7], $0x800, $0x38;
	[tilespmem:$0x1D800] =	vst v63  }
0x7d: {  	_ =	swait.ge [sflag:s7], $0x800  }
0x7e: {  	[sflag:s7] =	ssyncset.done $0x0  }
0x7f: {  	s14 =	sadd.s32 $0xD000, s4;
	[sflag:s7] =	ssyncadd.s32 $0xFFFFF800  }
0x80: {  	[spmem:s14] =	stream.linear.scatter [tilespmem:s8], [sflag:$0x7], $0x800, $0x38;
	[tilespmem:$0x1D800] =	vst v63  }
0x81: {  	_ =	swait.ge [sflag:s7], $0x800  }
0x82: {  	[sflag:s7] =	ssyncset.done $0x0  }
0x83: {  	s15 =	sadd.s32 $0xD800, s4;
	[sflag:s7] =	ssyncadd.s32 $0xFFFFF800  }
0x84: {  	[spmem:s15] =	stream.linear.scatter [tilespmem:s8], [sflag:$0x7], $0x800, $0x38;
	[tilespmem:$0x1D800] =	vst v63  }
0x85: {  	_ =	swait.ge [sflag:s7], $0x800  }
0x86: {  	[sflag:s7] =	ssyncset.done $0x0  }
0x87: {  	s16 =	sadd.s32 $0xE000, s4;
	[sflag:s7] =	ssyncadd.s32 $0xFFFFF800  }
0x88: {  	[spmem:s16] =	stream.linear.scatter [tilespmem:s8], [sflag:$0x7], $0x800, $0x38;
	[tilespmem:$0x1D800] =	vst v63  }
0x89: {  	_ =	swait.ge [sflag:s7], $0x800  }
0x8a: {  	[sflag:s7] =	ssyncset.done $0x0  }
0x8b: {  	s17 =	sadd.s32 $0xE800, s4;
	[sflag:s7] =	ssyncadd.s32 $0xFFFFF800  }
0x8c: {  	[spmem:s17] =	stream.linear.scatter [tilespmem:s8], [sflag:$0x7], $0x800, $0x38;
	[tilespmem:$0x1D800] =	vst v63  }
0x8d: {  	_ =	swait.ge [sflag:s7], $0x800  }
0x8e: {  	[sflag:s7] =	ssyncset.done $0x0  }
0x8f: {  	s18 =	sadd.s32 $0xF000, s4;
	[sflag:s7] =	ssyncadd.s32 $0xFFFFF800  }
0x90: {  	[spmem:s18] =	stream.linear.scatter [tilespmem:s8], [sflag:$0x7], $0x800, $0x38;
	[tilespmem:$0x1D800] =	vst v63  }
0x91: {  	_ =	swait.ge [sflag:s7], $0x800  }
0x92: {  	[sflag:s7] =	ssyncset.done $0x0  }
0x93: {  	s19 =	sadd.s32 $0xF800, s4;
	[sflag:s7] =	ssyncadd.s32 $0xFFFFF800  }
0x94: {  	[spmem:s19] =	stream.linear.scatter [tilespmem:s8], [sflag:$0x7], $0x800, $0x38;
	[tilespmem:$0x1D800] =	vst v63  }
0x95: {  	_ =	swait.ge [sflag:s7], $0x800  }
0x96: {  	[sflag:s7] =	ssyncset.done $0x0  }
0x97: {  	s20 =	sadd.s32 $0x10000, s4;
	[sflag:s7] =	ssyncadd.s32 $0xFFFFF800  }
0x98: {  	[spmem:s20] =	stream.linear.scatter [tilespmem:s8], [sflag:$0x7], $0x800, $0x38;
	[tilespmem:$0x1D800] =	vst v63  }
0x99: {  	_ =	swait.ge [sflag:s7], $0x800  }
0x9a: {  	[sflag:s7] =	ssyncset.done $0x0  }
0x9b: {  	s21 =	sadd.s32 $0x10800, s4;
	[sflag:s7] =	ssyncadd.s32 $0xFFFFF800  }
0x9c: {  	[spmem:s21] =	stream.linear.scatter [tilespmem:s8], [sflag:$0x7], $0x800, $0x38;
	[tilespmem:$0x1D800] =	vst v63  }
0x9d: {  	_ =	swait.ge [sflag:s7], $0x800  }
0x9e: {  	[sflag:s7] =	ssyncset.done $0x0  }
0x9f: {  	s22 =	sadd.s32 $0x11000, s4;
	[sflag:s7] =	ssyncadd.s32 $0xFFFFF800  }
0xa0: {  	[spmem:s22] =	stream.linear.scatter [tilespmem:s8], [sflag:$0x7], $0x800, $0x38;
	[tilespmem:$0x1D800] =	vst v63  }
0xa1: {  	_ =	swait.ge [sflag:s7], $0x800  }
0xa2: {  	[sflag:s7] =	ssyncset.done $0x0  }
0xa3: {  	s23 =	sadd.s32 $0x11800, s4;
	[sflag:s7] =	ssyncadd.s32 $0xFFFFF800  }
0xa4: {  	[spmem:s23] =	stream.linear.scatter [tilespmem:s8], [sflag:$0x7], $0x800, $0x38;
	[tilespmem:$0x1D800] =	vst v63  }
0xa5: {  	_ =	swait.ge [sflag:s7], $0x800  }
0xa6: {  	[sflag:s7] =	ssyncset.done $0x0  }
0xa7: {  	s24 =	sadd.s32 $0x12000, s4;
	[sflag:s7] =	ssyncadd.s32 $0xFFFFF800  }
0xa8: {  	[spmem:s24] =	stream.linear.scatter [tilespmem:s8], [sflag:$0x7], $0x800, $0x38;
	[tilespmem:$0x1D800] =	vst v63  }
0xa9: {  	_ =	swait.ge [sflag:s7], $0x800  }
0xaa: {  	[sflag:s7] =	ssyncset.done $0x0  }
0xab: {  	s25 =	sadd.s32 $0x12800, s4;
	[sflag:s7] =	ssyncadd.s32 $0xFFFFF800  }
0xac: {  	[spmem:s25] =	stream.linear.scatter [tilespmem:s8], [sflag:$0x7], $0x800, $0x38;
	[tilespmem:$0x1D800] =	vst v63  }
0xad: {  	_ =	swait.ge [sflag:s7], $0x800  }
0xae: {  	[sflag:s7] =	ssyncset.done $0x0  }
0xaf: {  	s26 =	sadd.s32 $0x13000, s4;
	[sflag:s7] =	ssyncadd.s32 $0xFFFFF800  }
0xb0: {  	[spmem:s26] =	stream.linear.scatter [tilespmem:s8], [sflag:$0x7], $0x800, $0x38;
	[tilespmem:$0x1D800] =	vst v63  }
0xb1: {  	_ =	swait.ge [sflag:s7], $0x800  }
0xb2: {  	[sflag:s7] =	ssyncset.done $0x0  }
0xb3: {  	s30 =	sadd.s32 $0x13800, s4;
	[sflag:s7] =	ssyncadd.s32 $0xFFFFF800  }
0xb4: {  	[spmem:s30] =	stream.linear.scatter [tilespmem:s8], [sflag:$0x7], $0x800, $0x38;
	[tilespmem:$0x1D800] =	vst v63  }
0xb5: {  	s31 =	smul.u32 $0xA000, s1;
	_ =	swait.ge [sflag:s7], $0x800  }
0xb6: {  	s11 =	simm.s32 $0x800;
	[sflag:s7] =	ssyncset.done $0x0  }
0xb7: {  	s12 =	simm.s32 $0xC00;
	s8 =	sshrl.u32 s31, $0x3;
	[sflag:s7] =	ssyncadd.s32 $0xFFFFF800  }
0xb8: {  	s13 =	simm.s32 $0x0;
	s9 =	sadd.s32 s6, s8;
	[bflag:$0x0] =	sbarrier.arrive $0xFFFF  }
0xb9: {  	[tilespmem:s13], [sflag:$0x3] =	stream.linear.gather [hbm4b:s9+s13], $0x400, $0x38;
	[tilespmem:$0x1D800] =	vst v63  }
0xba: {  	s14 =	smul.u32 $0x1400, s1;
	s15 =	simm.s32 $0x100;
	[dreg:$0x5] =	wrdreg s12  }
0xbb: {  	s16 =	simm.s32 $0x180;
	s17 =	simm.s32 $0x200;
	[dreg:$0x6] =	wrdreg s15  }
0xbc: {  	s18 =	simm.s32 $0x280;
	s19 =	simm.s32 $0x300;
	[dreg:$0x7] =	wrdreg s16  }
0xbd: {  	s20 =	simm.s32 $0x380;
	s10 =	sadd.s32 s5, s8;
	[dreg:$0x8] =	wrdreg s17  }
0xbe: {  	s12 =	sadd.s32 s14, s6;
	s9 =	simm.s32 $0x400;
	[dreg:$0x9] =	wrdreg s18  }
0xbf: {  	[tilespmem:s11], [sflag:$0x5] =	stream.linear.gather [hbm4b:s10+s13], $0x400, $0x38;
	[tilespmem:$0x1D800] =	vst v63  }
0xc0: {  	[dreg:$0xa] =	wrdreg s19;
	s6 =	sadd.s32 $0x0, s12;
	s11 =	sadd.s32 s14, s5  }
0xc1: {  	[dreg:$0xb] =	wrdreg s20;
	s6 =	sadd.s32 $0x80, s6;
	s22 =	sadd.s32 $0x0, s11  }
0xc2: {  	[tilespmem:s9], [sflag:$0x4] =	stream.linear.gather [hbm4b:s6+s13], $0x400, $0x38;
	[tilespmem:$0x1D800] =	vst v63  }
0xc3: {  	s21 =	rddreg [dreg:$0x5];
	s14 =	simm.s32 $0x3;
	s23 =	sadd.s32 $0x80, s22  }
0xc4: {  	[tilespmem:s21], [sflag:$0x6] =	stream.linear.gather [hbm4b:s23+s13], $0x400, $0x38;
	[tilespmem:$0x1D800] =	vst v63  }
0xc5: {  	_ =	swait.ge [sflag:s14], $0x400  }
0xc6: {  	[sflag:s14] =	ssyncset.done $0x0  }
0xc7: {  	s15 =	simm.s32 $0x5;
	[sflag:s14] =	ssyncadd.s32 $0xFFFFFC00  }
0xc8: {  	_ =	swait.ge [sflag:s15], $0x400  }
0xc9: {  	[sflag:s15] =	ssyncset.done $0x0  }
0xca: {  	s5 =	simm.s32 $0x80;
	s10 =	simm.s32 $0x1000;
	[sflag:s15] =	ssyncadd.s32 $0xFFFFFC00  }
0xcb: {  	[tilespmem:s10], [sflag:$0x1] =	stream.indirect.gather [hbm4b:s2+s5], $0x80, s13, s5, $0xb8;
	[tilespmem:$0x1D800] =	vst v63  }
0xcc: {  	s8 =	simm.s32 $0x5000;
	s6 =	simm.s32 $0x1  }
0xcd: {  	[tilespmem:s8], [sflag:$0x2] =	stream.indirect.gather [hbm4b:s2+s5], $0x80, s5, s5, $0xb8;
	[tilespmem:$0x1D800] =	vst v63  }
0xce: {  	_ =	swait.ge [sflag:s6], $0x4000  }
0xcf: {  	[sflag:s6] =	ssyncset.done $0x0  }
0xd0: {  	s7 =	simm.s32 $0x2;
	s16 =	rddreg [dreg:$0x6];
	[sflag:s6] =	ssyncadd.s32 $0xFFFFC000  }
0xd1: {  	[tilespmem:s10], [sflag:$0x1] =	stream.indirect.gather [hbm4b:s2+s5], $0x80, s16, s5, $0xb8;
	[tilespmem:$0x1D800] =	vst v63  }
0xd2: {  	_ =	swait.ge [sflag:s7], $0x4000  }
0xd3: {  	[sflag:s7] =	ssyncset.done $0x0  }
0xd4: {  	s24 =	rddreg [dreg:$0x7];
	[sflag:s7] =	ssyncadd.s32 $0xFFFFC000  }
0xd5: {  	[tilespmem:s8], [sflag:$0x2] =	stream.indirect.gather [hbm4b:s2+s5], $0x80, s24, s5, $0xb8;
	[tilespmem:$0x1D800] =	vst v63  }
0xd6: {  	_ =	swait.ge [sflag:s6], $0x4000  }
0xd7: {  	[sflag:s6] =	ssyncset.done $0x0  }
0xd8: {  	s25 =	rddreg [dreg:$0x8];
	[sflag:s6] =	ssyncadd.s32 $0xFFFFC000  }
0xd9: {  	[tilespmem:s10], [sflag:$0x1] =	stream.indirect.gather [hbm4b:s2+s5], $0x80, s25, s5, $0xb8;
	[tilespmem:$0x1D800] =	vst v63  }
0xda: {  	_ =	swait.ge [sflag:s7], $0x4000  }
0xdb: {  	[sflag:s7] =	ssyncset.done $0x0  }
0xdc: {  	s26 =	rddreg [dreg:$0x9];
	[sflag:s7] =	ssyncadd.s32 $0xFFFFC000  }
0xdd: {  	[tilespmem:s8], [sflag:$0x2] =	stream.indirect.gather [hbm4b:s2+s5], $0x80, s26, s5, $0xb8;
	[tilespmem:$0x1D800] =	vst v63  }
0xde: {  	_ =	swait.ge [sflag:s6], $0x4000  }
0xdf: {  	[sflag:s6] =	ssyncset.done $0x0  }
0xe0: {  	s30 =	rddreg [dreg:$0xa];
	[sflag:s6] =	ssyncadd.s32 $0xFFFFC000  }
0xe1: {  	[tilespmem:s10], [sflag:$0x1] =	stream.indirect.gather [hbm4b:s2+s5], $0x80, s30, s5, $0xb8;
	[tilespmem:$0x1D800] =	vst v63  }
0xe2: {  	_ =	swait.ge [sflag:s7], $0x4000  }
0xe3: {  	[sflag:s7] =	ssyncset.done $0x0  }
0xe4: {  	s31 =	rddreg [dreg:$0xb];
	[sflag:s7] =	ssyncadd.s32 $0xFFFFC000  }
0xe5: {  	[tilespmem:s8], [sflag:$0x2] =	stream.indirect.gather [hbm4b:s2+s5], $0x80, s31, s5, $0xb8;
	[tilespmem:$0x1D800] =	vst v63  }
0xe6: {  	_ =	swait.ge [sflag:s6], $0x4000  }
0xe7: {  	[sflag:s6] =	ssyncset.done $0x0  }
0xe8: {  	[sflag:s6] =	ssyncadd.s32 $0xFFFFC000  }
0xe9: {  	p0 =	por $0x0, $0x0;
	_ =	swait.ge [sflag:s7], $0x4000  }
0xea: {  	s18 =	simm.s32 @!p0 $0x0;
	s16 =	sadd.s32 @!p0 $0x0, s12;
	[sflag:s7] =	ssyncset.done $0x0  }
0xeb: {  	s17 =	sadd.s32 @!p0 $0x0, s11;
	s16 =	sadd.s32 @!p0 $0x100, s16;
	[sflag:s7] =	ssyncadd.s32 $0xFFFFC000  }
0xec: {  	[tilespmem:s18], [sflag:$0x3] =	stream.linear.gather @!p0 [hbm4b:s16+s18], $0x400, $0x38;
	[tilespmem:$0x1D800] =	vst v63  }
0xed: {  	s19 =	simm.s32 @!p0 $0x800;
	s17 =	sadd.s32 @!p0 $0x100, s17;
	s16 =	simm.s32 $0x4  }
0xee: {  	[tilespmem:s19], [sflag:$0x5] =	stream.linear.gather @!p0 [hbm4b:s17+s18], $0x400, $0x38;
	[tilespmem:$0x1D800] =	vst v63  }
0xef: {  	_ =	swait.ge [sflag:s16], $0x400  }
0xf0: {  	[sflag:s16] =	ssyncset.done $0x0  }
0xf1: {  	s17 =	simm.s32 $0x6;
	[sflag:s16] =	ssyncadd.s32 $0xFFFFFC00  }
0xf2: {  	_ =	swait.ge [sflag:s17], $0x400  }
0xf3: {  	[sflag:s17] =	ssyncset.done $0x0  }
0xf4: {  	[sflag:s17] =	ssyncadd.s32 $0xFFFFFC00  }
0xf5: {  	[tilespmem:s10], [sflag:$0x1] =	stream.indirect.gather [hbm4b:s2+s5], $0x80, s9, s5, $0xb8;
	[tilespmem:$0x1D800] =	vst v63  }
0xf6: {  	s18 =	simm.s32 $0x480  }
0xf7: {  	[tilespmem:s8], [sflag:$0x2] =	stream.indirect.gather [hbm4b:s2+s5], $0x80, s18, s5, $0xb8;
	[tilespmem:$0x1D800] =	vst v63  }
0xf8: {  	_ =	swait.ge [sflag:s6], $0x4000  }
0xf9: {  	[sflag:s6] =	ssyncset.done $0x0  }
0xfa: {  	s19 =	simm.s32 $0x500;
	[sflag:s6] =	ssyncadd.s32 $0xFFFFC000  }
0xfb: {  	[tilespmem:s10], [sflag:$0x1] =	stream.indirect.gather [hbm4b:s2+s5], $0x80, s19, s5, $0xb8;
	[tilespmem:$0x1D800] =	vst v63  }
0xfc: {  	_ =	swait.ge [sflag:s7], $0x4000  }
0xfd: {  	[sflag:s7] =	ssyncset.done $0x0  }
0xfe: {  	s20 =	simm.s32 $0x580;
	[sflag:s7] =	ssyncadd.s32 $0xFFFFC000  }
0xff: {  	[tilespmem:s8], [sflag:$0x2] =	stream.indirect.gather [hbm4b:s2+s5], $0x80, s20, s5, $0xb8;
	[tilespmem:$0x1D800] =	vst v63  }
0x100: {  	_ =	swait.ge [sflag:s6], $0x4000  }
0x101: {  	[sflag:s6] =	ssyncset.done $0x0  }
0x102: {  	s21 =	simm.s32 $0x600;
	[sflag:s6] =	ssyncadd.s32 $0xFFFFC000  }
0x103: {  	[tilespmem:s10], [sflag:$0x1] =	stream.indirect.gather [hbm4b:s2+s5], $0x80, s21, s5, $0xb8;
	[tilespmem:$0x1D800] =	vst v63  }
0x104: {  	_ =	swait.ge [sflag:s7], $0x4000  }
0x105: {  	[sflag:s7] =	ssyncset.done $0x0  }
0x106: {  	s22 =	simm.s32 $0x680;
	[sflag:s7] =	ssyncadd.s32 $0xFFFFC000  }
0x107: {  	[tilespmem:s8], [sflag:$0x2] =	stream.indirect.gather [hbm4b:s2+s5], $0x80, s22, s5, $0xb8;
	[tilespmem:$0x1D800] =	vst v63  }
0x108: {  	_ =	swait.ge [sflag:s6], $0x4000  }
0x109: {  	[sflag:s6] =	ssyncset.done $0x0  }
0x10a: {  	s23 =	simm.s32 $0x700;
	[sflag:s6] =	ssyncadd.s32 $0xFFFFC000  }
0x10b: {  	[tilespmem:s10], [sflag:$0x1] =	stream.indirect.gather [hbm4b:s2+s5], $0x80, s23, s5, $0xb8;
	[tilespmem:$0x1D800] =	vst v63  }
0x10c: {  	_ =	swait.ge [sflag:s7], $0x4000  }
0x10d: {  	[sflag:s7] =	ssyncset.done $0x0  }
0x10e: {  	s24 =	simm.s32 $0x780;
	[sflag:s7] =	ssyncadd.s32 $0xFFFFC000  }
0x10f: {  	[tilespmem:s8], [sflag:$0x2] =	stream.indirect.gather [hbm4b:s2+s5], $0x80, s24, s5, $0xb8;
	[tilespmem:$0x1D800] =	vst v63  }
0x110: {  	_ =	swait.ge [sflag:s6], $0x4000  }
0x111: {  	[sflag:s6] =	ssyncset.done $0x0  }
0x112: {  	[sflag:s6] =	ssyncadd.s32 $0xFFFFC000  }
0x113: {  	s28 =	sadd.s32 $0x100, s12;
	s25 =	simm.s32 $0x100;
	_ =	swait.ge [sflag:s7], $0x4000  }
0x114: {  	s26 =	simm.s32 $0x200;
	s29 =	rddreg [dreg:$0x5];
	[sflag:s7] =	ssyncset.done $0x0  }
.LBB2_3:
0x115: {  	s28 =	sadd.s32 $0x80, s28;
	s30 =	sadd.s32 s25, s11;
	[sflag:s7] =	ssyncadd.s32 $0xFFFFC000  }
0x116: {  	[tilespmem:s9], [sflag:$0x4] =	stream.linear.gather [hbm4b:s28+s13], $0x400, $0x38;
	[tilespmem:$0x1D800] =	vst v63  }
0x117: {  	s30 =	sadd.s32 $0x80, s30  }
0x118: {  	[tilespmem:s29], [sflag:$0x6] =	stream.linear.gather [hbm4b:s30+s13], $0x400, $0x38;
	[tilespmem:$0x1D800] =	vst v63  }
0x119: {  	_ =	swait.ge [sflag:s14], $0x400  }
0x11a: {  	[sflag:s14] =	ssyncset.done $0x0  }
0x11b: {  	[sflag:s14] =	ssyncadd.s32 $0xFFFFFC00  }
0x11c: {  	_ =	swait.ge [sflag:s15], $0x400  }
0x11d: {  	[sflag:s15] =	ssyncset.done $0x0  }
0x11e: {  	[sflag:s15] =	ssyncadd.s32 $0xFFFFFC00  }
0x11f: {  	[tilespmem:s10], [sflag:$0x1] =	stream.indirect.gather [hbm4b:s2+s5], $0x80, s13, s5, $0xb8;
	[tilespmem:$0x1D800] =	vst v63  }
0x120: {  	_ = 	snop  }
0x121: {  	[tilespmem:s8], [sflag:$0x2] =	stream.indirect.gather [hbm4b:s2+s5], $0x80, s5, s5, $0xb8;
	[tilespmem:$0x1D800] =	vst v63  }
0x122: {  	_ =	swait.ge [sflag:s6], $0x4000  }
0x123: {  	[sflag:s6] =	ssyncset.done $0x0  }
0x124: {  	s29 =	rddreg [dreg:$0x6];
	[sflag:s6] =	ssyncadd.s32 $0xFFFFC000  }
0x125: {  	[tilespmem:s10], [sflag:$0x1] =	stream.indirect.gather [hbm4b:s2+s5], $0x80, s29, s5, $0xb8;
	[tilespmem:$0x1D800] =	vst v63  }
0x126: {  	_ =	swait.ge [sflag:s7], $0x4000  }
0x127: {  	[sflag:s7] =	ssyncset.done $0x0  }
0x128: {  	s29 =	rddreg [dreg:$0x7];
	[sflag:s7] =	ssyncadd.s32 $0xFFFFC000  }
0x129: {  	[tilespmem:s8], [sflag:$0x2] =	stream.indirect.gather [hbm4b:s2+s5], $0x80, s29, s5, $0xb8;
	[tilespmem:$0x1D800] =	vst v63  }
0x12a: {  	_ =	swait.ge [sflag:s6], $0x4000  }
0x12b: {  	[sflag:s6] =	ssyncset.done $0x0  }
0x12c: {  	s29 =	rddreg [dreg:$0x8];
	[sflag:s6] =	ssyncadd.s32 $0xFFFFC000  }
0x12d: {  	[tilespmem:s10], [sflag:$0x1] =	stream.indirect.gather [hbm4b:s2+s5], $0x80, s29, s5, $0xb8;
	[tilespmem:$0x1D800] =	vst v63  }
0x12e: {  	_ =	swait.ge [sflag:s7], $0x4000  }
0x12f: {  	[sflag:s7] =	ssyncset.done $0x0  }
0x130: {  	s29 =	rddreg [dreg:$0x9];
	[sflag:s7] =	ssyncadd.s32 $0xFFFFC000  }
0x131: {  	[tilespmem:s8], [sflag:$0x2] =	stream.indirect.gather [hbm4b:s2+s5], $0x80, s29, s5, $0xb8;
	[tilespmem:$0x1D800] =	vst v63  }
0x132: {  	_ =	swait.ge [sflag:s6], $0x4000  }
0x133: {  	[sflag:s6] =	ssyncset.done $0x0  }
0x134: {  	s29 =	rddreg [dreg:$0xa];
	[sflag:s6] =	ssyncadd.s32 $0xFFFFC000  }
0x135: {  	[tilespmem:s10], [sflag:$0x1] =	stream.indirect.gather [hbm4b:s2+s5], $0x80, s29, s5, $0xb8;
	[tilespmem:$0x1D800] =	vst v63  }
0x136: {  	_ =	swait.ge [sflag:s7], $0x4000  }
0x137: {  	[sflag:s7] =	ssyncset.done $0x0  }
0x138: {  	s29 =	rddreg [dreg:$0xb];
	[sflag:s7] =	ssyncadd.s32 $0xFFFFC000  }
0x139: {  	[tilespmem:s8], [sflag:$0x2] =	stream.indirect.gather [hbm4b:s2+s5], $0x80, s29, s5, $0xb8;
	[tilespmem:$0x1D800] =	vst v63  }
0x13a: {  	_ =	swait.ge [sflag:s6], $0x4000  }
0x13b: {  	[sflag:s6] =	ssyncset.done $0x0  }
0x13c: {  	[sflag:s6] =	ssyncadd.s32 $0xFFFFC000  }
0x13d: {  	p1 =	seq.s32 s25, $0x1300;
	_ =	swait.ge [sflag:s7], $0x4000  }
0x13e: {  	s30 =	simm.s32 @!p1 $0x0;
	s29 =	sadd.s32 @!p1 s25, s12;
	[sflag:s7] =	ssyncset.done $0x0  }
0x13f: {  	s25 =	sadd.s32 @!p1 s25, s11;
	s29 =	sadd.s32 @!p1 $0x100, s29;
	[sflag:s7] =	ssyncadd.s32 $0xFFFFC000  }
0x140: {  	[tilespmem:s30], [sflag:$0x3] =	stream.linear.gather @!p1 [hbm4b:s29+s30], $0x400, $0x38;
	[tilespmem:$0x1D800] =	vst v63  }
0x141: {  	s31 =	simm.s32 @!p1 $0x800;
	s29 =	sadd.s32 @!p1 $0x100, s25  }
0x142: {  	[tilespmem:s31], [sflag:$0x5] =	stream.linear.gather @!p1 [hbm4b:s29+s30], $0x400, $0x38;
	[tilespmem:$0x1D800] =	vst v63  }
0x143: {  	_ =	swait.ge [sflag:s16], $0x400  }
0x144: {  	[sflag:s16] =	ssyncset.done $0x0  }
0x145: {  	[sflag:s16] =	ssyncadd.s32 $0xFFFFFC00  }
0x146: {  	_ =	swait.ge [sflag:s17], $0x400  }
0x147: {  	[sflag:s17] =	ssyncset.done $0x0  }
0x148: {  	[sflag:s17] =	ssyncadd.s32 $0xFFFFFC00  }
0x149: {  	[tilespmem:s10], [sflag:$0x1] =	stream.indirect.gather [hbm4b:s2+s5], $0x80, s9, s5, $0xb8;
	[tilespmem:$0x1D800] =	vst v63  }
0x14a: {  	_ = 	snop  }
0x14b: {  	[tilespmem:s8], [sflag:$0x2] =	stream.indirect.gather [hbm4b:s2+s5], $0x80, s18, s5, $0xb8;
	[tilespmem:$0x1D800] =	vst v63  }
0x14c: {  	_ =	swait.ge [sflag:s6], $0x4000  }
0x14d: {  	[sflag:s6] =	ssyncset.done $0x0  }
0x14e: {  	[sflag:s6] =	ssyncadd.s32 $0xFFFFC000  }
0x14f: {  	[tilespmem:s10], [sflag:$0x1] =	stream.indirect.gather [hbm4b:s2+s5], $0x80, s19, s5, $0xb8;
	[tilespmem:$0x1D800] =	vst v63  }
0x150: {  	_ =	swait.ge [sflag:s7], $0x4000  }
0x151: {  	[sflag:s7] =	ssyncset.done $0x0  }
0x152: {  	[sflag:s7] =	ssyncadd.s32 $0xFFFFC000  }
0x153: {  	[tilespmem:s8], [sflag:$0x2] =	stream.indirect.gather [hbm4b:s2+s5], $0x80, s20, s5, $0xb8;
	[tilespmem:$0x1D800] =	vst v63  }
0x154: {  	_ =	swait.ge [sflag:s6], $0x4000  }
0x155: {  	[sflag:s6] =	ssyncset.done $0x0  }
0x156: {  	[sflag:s6] =	ssyncadd.s32 $0xFFFFC000  }
0x157: {  	[tilespmem:s10], [sflag:$0x1] =	stream.indirect.gather [hbm4b:s2+s5], $0x80, s21, s5, $0xb8;
	[tilespmem:$0x1D800] =	vst v63  }
0x158: {  	_ =	swait.ge [sflag:s7], $0x4000  }
0x159: {  	[sflag:s7] =	ssyncset.done $0x0  }
0x15a: {  	[sflag:s7] =	ssyncadd.s32 $0xFFFFC000  }
0x15b: {  	[tilespmem:s8], [sflag:$0x2] =	stream.indirect.gather [hbm4b:s2+s5], $0x80, s22, s5, $0xb8;
	[tilespmem:$0x1D800] =	vst v63  }
0x15c: {  	_ =	swait.ge [sflag:s6], $0x4000  }
0x15d: {  	[sflag:s6] =	ssyncset.done $0x0  }
0x15e: {  	[sflag:s6] =	ssyncadd.s32 $0xFFFFC000  }
0x15f: {  	[tilespmem:s10], [sflag:$0x1] =	stream.indirect.gather [hbm4b:s2+s5], $0x80, s23, s5, $0xb8;
	[tilespmem:$0x1D800] =	vst v63  }
0x160: {  	_ =	swait.ge [sflag:s7], $0x4000  }
0x161: {  	s28 =	smov.u32 s26;
	s26 =	sadd.s32 $0x100, s26;
	[sflag:s7] =	ssyncset.done $0x0  }
0x162: {  	p0 =	sne.s32 s26, $0x1400;
	[sflag:s7] =	ssyncadd.s32 $0xFFFFC000  }
0x163: {  	[tilespmem:s8], [sflag:$0x2] =	stream.indirect.gather [hbm4b:s2+s5], $0x80, s24, s5, $0xb8;
	[tilespmem:$0x1D800] =	vst v63  }
.Ltmp1:
0x164: {  	_ =	swait.ge [sflag:s6], $0x4000;
	(pc) =	sbr.rel @p0 .LBB2_3-.Ltmp1, $4  }
0x165: {  	[sflag:s6] =	ssyncset.done $0x0  }
0x166: {  	[sflag:s6] =	ssyncadd.s32 $0xFFFFC000  }
0x167: {  	s25 =	smov.u32 s28;
	_ =	swait.ge [sflag:s7], $0x4000  }
0x168: {  	s28 =	sadd.s32 s25, s12;
	s29 =	rddreg [dreg:$0x5];
	[sflag:s7] =	ssyncset.done $0x0  }
0x169: {  	s26 =	sadd.s32 $0x80, s28;
	[sflag:s7] =	ssyncadd.s32 $0xFFFFC000;
	s28 =	sadd.s32 s25, s11  }
0x16a: {  	[tilespmem:s9], [sflag:$0x4] =	stream.linear.gather [hbm4b:s26+s13], $0x400, $0x38;
	[tilespmem:$0x1D800] =	vst v63  }
0x16b: {  	s26 =	sadd.s32 $0x80, s28  }
0x16c: {  	[tilespmem:s29], [sflag:$0x6] =	stream.linear.gather [hbm4b:s26+s13], $0x400, $0x38;
	[tilespmem:$0x1D800] =	vst v63  }
0x16d: {  	_ =	swait.ge [sflag:s14], $0x400  }
0x16e: {  	[sflag:s14] =	ssyncset.done $0x0  }
0x16f: {  	[sflag:s14] =	ssyncadd.s32 $0xFFFFFC00  }
0x170: {  	_ =	swait.ge [sflag:s15], $0x400  }
0x171: {  	[sflag:s15] =	ssyncset.done $0x0  }
0x172: {  	[sflag:s15] =	ssyncadd.s32 $0xFFFFFC00  }
0x173: {  	[tilespmem:s10], [sflag:$0x1] =	stream.indirect.gather [hbm4b:s2+s5], $0x80, s13, s5, $0xb8;
	[tilespmem:$0x1D800] =	vst v63  }
0x174: {  	_ = 	snop  }
0x175: {  	[tilespmem:s8], [sflag:$0x2] =	stream.indirect.gather [hbm4b:s2+s5], $0x80, s5, s5, $0xb8;
	[tilespmem:$0x1D800] =	vst v63  }
0x176: {  	_ =	swait.ge [sflag:s6], $0x4000  }
0x177: {  	[sflag:s6] =	ssyncset.done $0x0  }
0x178: {  	s30 =	rddreg [dreg:$0x6];
	[sflag:s6] =	ssyncadd.s32 $0xFFFFC000  }
0x179: {  	[tilespmem:s10], [sflag:$0x1] =	stream.indirect.gather [hbm4b:s2+s5], $0x80, s30, s5, $0xb8;
	[tilespmem:$0x1D800] =	vst v63  }
0x17a: {  	_ =	swait.ge [sflag:s7], $0x4000  }
0x17b: {  	[sflag:s7] =	ssyncset.done $0x0  }
0x17c: {  	s31 =	rddreg [dreg:$0x7];
	[sflag:s7] =	ssyncadd.s32 $0xFFFFC000  }
0x17d: {  	[tilespmem:s8], [sflag:$0x2] =	stream.indirect.gather [hbm4b:s2+s5], $0x80, s31, s5, $0xb8;
	[tilespmem:$0x1D800] =	vst v63  }
0x17e: {  	_ =	swait.ge [sflag:s6], $0x4000  }
0x17f: {  	[sflag:s6] =	ssyncset.done $0x0  }
0x180: {  	s14 =	rddreg [dreg:$0x8];
	[sflag:s6] =	ssyncadd.s32 $0xFFFFC000  }
0x181: {  	[tilespmem:s10], [sflag:$0x1] =	stream.indirect.gather [hbm4b:s2+s5], $0x80, s14, s5, $0xb8;
	[tilespmem:$0x1D800] =	vst v63  }
0x182: {  	_ =	swait.ge [sflag:s7], $0x4000  }
0x183: {  	[sflag:s7] =	ssyncset.done $0x0  }
0x184: {  	s15 =	rddreg [dreg:$0x9];
	[sflag:s7] =	ssyncadd.s32 $0xFFFFC000  }
0x185: {  	[tilespmem:s8], [sflag:$0x2] =	stream.indirect.gather [hbm4b:s2+s5], $0x80, s15, s5, $0xb8;
	[tilespmem:$0x1D800] =	vst v63  }
0x186: {  	_ =	swait.ge [sflag:s6], $0x4000  }
0x187: {  	[sflag:s6] =	ssyncset.done $0x0  }
0x188: {  	s26 =	rddreg [dreg:$0xa];
	[sflag:s6] =	ssyncadd.s32 $0xFFFFC000  }
0x189: {  	[tilespmem:s10], [sflag:$0x1] =	stream.indirect.gather [hbm4b:s2+s5], $0x80, s26, s5, $0xb8;
	[tilespmem:$0x1D800] =	vst v63  }
0x18a: {  	_ =	swait.ge [sflag:s7], $0x4000  }
0x18b: {  	[sflag:s7] =	ssyncset.done $0x0  }
0x18c: {  	s28 =	rddreg [dreg:$0xb];
	[sflag:s7] =	ssyncadd.s32 $0xFFFFC000  }
0x18d: {  	[tilespmem:s8], [sflag:$0x2] =	stream.indirect.gather [hbm4b:s2+s5], $0x80, s28, s5, $0xb8;
	[tilespmem:$0x1D800] =	vst v63  }
0x18e: {  	_ =	swait.ge [sflag:s6], $0x4000  }
0x18f: {  	[sflag:s6] =	ssyncset.done $0x0  }
0x190: {  	[sflag:s6] =	ssyncadd.s32 $0xFFFFC000  }
0x191: {  	p0 =	seq.s32 s25, $0x1300;
	_ =	swait.ge [sflag:s7], $0x4000  }
0x192: {  	s12 =	sadd.s32 @!p0 s25, s12;
	s11 =	sadd.s32 @!p0 s25, s11;
	[sflag:s7] =	ssyncset.done $0x0  }
0x193: {  	s12 =	sadd.s32 @!p0 $0x100, s12;
	s13 =	simm.s32 @!p0 $0x0;
	[sflag:s7] =	ssyncadd.s32 $0xFFFFC000  }
0x194: {  	[tilespmem:s13], [sflag:$0x3] =	stream.linear.gather @!p0 [hbm4b:s12+s13], $0x400, $0x38;
	[tilespmem:$0x1D800] =	vst v63  }
0x195: {  	s11 =	sadd.s32 @!p0 $0x100, s11;
	s12 =	simm.s32 @!p0 $0x800  }
0x196: {  	[tilespmem:s12], [sflag:$0x5] =	stream.linear.gather @!p0 [hbm4b:s11+s13], $0x400, $0x38;
	[tilespmem:$0x1D800] =	vst v63  }
0x197: {  	_ =	swait.ge [sflag:s16], $0x400  }
0x198: {  	[sflag:s16] =	ssyncset.done $0x0  }
0x199: {  	[sflag:s16] =	ssyncadd.s32 $0xFFFFFC00  }
0x19a: {  	_ =	swait.ge [sflag:s17], $0x400  }
0x19b: {  	[sflag:s17] =	ssyncset.done $0x0  }
0x19c: {  	[sflag:s17] =	ssyncadd.s32 $0xFFFFFC00  }
0x19d: {  	[tilespmem:s10], [sflag:$0x1] =	stream.indirect.gather [hbm4b:s2+s5], $0x80, s9, s5, $0xb8;
	[tilespmem:$0x1D800] =	vst v63  }
0x19e: {  	_ = 	snop  }
0x19f: {  	[tilespmem:s8], [sflag:$0x2] =	stream.indirect.gather [hbm4b:s2+s5], $0x80, s18, s5, $0xb8;
	[tilespmem:$0x1D800] =	vst v63  }
0x1a0: {  	_ =	swait.ge [sflag:s6], $0x4000  }
0x1a1: {  	[sflag:s6] =	ssyncset.done $0x0  }
0x1a2: {  	[sflag:s6] =	ssyncadd.s32 $0xFFFFC000  }
0x1a3: {  	[tilespmem:s10], [sflag:$0x1] =	stream.indirect.gather [hbm4b:s2+s5], $0x80, s19, s5, $0xb8;
	[tilespmem:$0x1D800] =	vst v63  }
0x1a4: {  	_ =	swait.ge [sflag:s7], $0x4000  }
0x1a5: {  	[sflag:s7] =	ssyncset.done $0x0  }
0x1a6: {  	[sflag:s7] =	ssyncadd.s32 $0xFFFFC000  }
0x1a7: {  	[tilespmem:s8], [sflag:$0x2] =	stream.indirect.gather [hbm4b:s2+s5], $0x80, s20, s5, $0xb8;
	[tilespmem:$0x1D800] =	vst v63  }
0x1a8: {  	_ =	swait.ge [sflag:s6], $0x4000  }
0x1a9: {  	[sflag:s6] =	ssyncset.done $0x0  }
0x1aa: {  	[sflag:s6] =	ssyncadd.s32 $0xFFFFC000  }
0x1ab: {  	[tilespmem:s10], [sflag:$0x1] =	stream.indirect.gather [hbm4b:s2+s5], $0x80, s21, s5, $0xb8;
	[tilespmem:$0x1D800] =	vst v63  }
0x1ac: {  	_ =	swait.ge [sflag:s7], $0x4000  }
0x1ad: {  	[sflag:s7] =	ssyncset.done $0x0  }
0x1ae: {  	[sflag:s7] =	ssyncadd.s32 $0xFFFFC000  }
0x1af: {  	[tilespmem:s8], [sflag:$0x2] =	stream.indirect.gather [hbm4b:s2+s5], $0x80, s22, s5, $0xb8;
	[tilespmem:$0x1D800] =	vst v63  }
0x1b0: {  	_ =	swait.ge [sflag:s6], $0x4000  }
0x1b1: {  	[sflag:s6] =	ssyncset.done $0x0  }
0x1b2: {  	[sflag:s6] =	ssyncadd.s32 $0xFFFFC000  }
0x1b3: {  	[tilespmem:s10], [sflag:$0x1] =	stream.indirect.gather [hbm4b:s2+s5], $0x80, s23, s5, $0xb8;
	[tilespmem:$0x1D800] =	vst v63  }
0x1b4: {  	_ =	swait.ge [sflag:s7], $0x4000  }
0x1b5: {  	[sflag:s7] =	ssyncset.done $0x0  }
0x1b6: {  	[sflag:s7] =	ssyncadd.s32 $0xFFFFC000  }
0x1b7: {  	[tilespmem:s8], [sflag:$0x2] =	stream.indirect.gather [hbm4b:s2+s5], $0x80, s24, s5, $0xb8;
	[tilespmem:$0x1D800] =	vst v63  }
0x1b8: {  	_ =	swait.ge [sflag:s6], $0x4000  }
0x1b9: {  	[sflag:s6] =	ssyncset.done $0x0  }
0x1ba: {  	[sflag:s6] =	ssyncadd.s32 $0xFFFFC000  }
0x1bb: {  	_ =	swait.ge [sflag:s7], $0x4000  }
0x1bc: {  	s4 =	sshrl.u32 s4, $0x3;
	s29 =	smul.u32 $0x2800, s1;
	[sflag:s7] =	ssyncset.done $0x0  }
0x1bd: {  	s30 =	sshll.u32 s1, $0x6;
	s31 =	simm.s32 $0x7;
	[sflag:s7] =	ssyncadd.s32 $0xFFFFC000  }
0x1be: {  	s2 =	sadd.s32 s3, s29;
	s3 =	sor.u32 $0x1C07, s30;
	[bflag:$0x0] =	sbarrier.arrive $0xFFFF  }
0x1bf: {  	[hbm:s2], [sflag:s3] =	dma.local [spmem:s4], $0x2800  }
0x1c0: {  	_ =	swait.ge [sflag:s31], $0x2800  }
0x1c1: {  	[sflag:s31] =	ssyncset.done $0x0  }
0x1c2: {  	[sflag:s31] =	ssyncadd.s32 $0xFFFFD800  }
0x1c3: {  	_ =	sfence.sel $0x180000  }
0x1c4: {  	[bflag:$0x0] =	sbarrier.arrive $0xFFFF  }
0x1c5: {  	p0 =	sne.s32 s1, $0x0;
	_ =	strace $0x90000047  }
0x1c6: {  	s0 =	sadd.s32 @!p0 $0x100000, s0;
	[bflag:$0x2] =	sbarrier.arrive $0xFFFF  }
0x1c7: {  	[sflag:s0] =	ssyncadd.tile.s32 @!p0 $0x1;
	_ =	shalt  }
.Lfunc_end2:
_tile_overlayer_lowered:
.L_overlay_start_2:
0x1c8: {  	(tag) =	ssettag $0x2  }
0x1c9: {  	s0 =	rddreg [dreg:$0x0];
	s2 =	stileid.u32  }
0x1ca: {  	s1 =	rddreg [dreg:$0x1];
	p0 =	sne.s32 s2, $0x0  }
0x1cb: {  	s3 =	rddreg [dreg:$0x2];
	[bflag:$0x3] =	sbarrier.arrive $0xFFFF;
	s2 =	simm.s32 @!p0 $0x1C07  }
0x1cc: {  	[timem:s3], [sflag:s2] =	dma.local @!p0 [hbm:s0], s1  }
0x1cd: {  	s0 =	simm.s32 @!p0 $0x7  }
0x1ce: {  	_ =	swait.ge @!p0 [sflag:s0], s1  }
0x1cf: {  	s1 =	ssub.s32 @!p0 $0x0, s1;
	[sflag:s0] =	ssyncset.done @!p0 $0x0  }
0x1d0: {  	[sflag:s0] =	ssyncadd.s32 @!p0 s1  }
0x1d1: {  	[bflag:$0x3] =	sbarrier.arrive $0xFFFF  }
0x1d2: {  	_ =	shalt  }

</sc_bundles>
